<compile_context>
chip_gen: v7x
topology: tpu7x:2x2x1
jax: 0.10.2.dev20260603
libtpu: 0.0.44.dev20260713+nightly
codegen_flags: <defaults>
</compile_context>

<pallas_src>
import functools

import jax
import jax.numpy as jnp
from jax import lax
from jax.experimental import pallas as pl
from jax.experimental.pallas import tpu as pltpu
from jax.experimental.pallas import tpu_sc as plsc

N = 10000
E = 320000
DF = 128
SM = 0.5

NP = 10240
EP = 327680
CH = EP // 128
NT = 32
CPT = CH // NT
IB = 16
NB = CPT // IB
RPT = NP // 16
TRASH = N

_MESH = plsc.VectorSubcoreMesh(core_axis_name="c", subcore_axis_name="s")



def _deg_body(col_hbm, ones_hbm, zeros_hbm, out_hbm, idxv, onesv, accum):
    c = lax.axis_index("c")
    s = lax.axis_index("s")
    w = c * 16 + s
    pltpu.sync_copy(col_hbm.at[pl.ds(w * CPT, CPT)], idxv)
    pltpu.sync_copy(ones_hbm, onesv)
    pltpu.sync_copy(zeros_hbm, accum.at[pl.ds(s * RPT, RPT)])
    plsc.subcore_barrier()

    @pl.loop(0, CPT)
    def _scatter(j):
        pltpu.sync_copy(onesv, accum.at[idxv.at[j]], add=True)

    plsc.subcore_barrier()
    pltpu.sync_copy(accum.at[pl.ds(s * RPT, RPT)],
                    out_hbm.at[pl.ds(c * NP + s * RPT, RPT)])


_deg_call = pl.kernel(
    _deg_body,
    out_type=jax.ShapeDtypeStruct((2 * NP,), jnp.float32),
    mesh=_MESH,
    scratch_types=[
        pltpu.VMEM((CPT, 128), jnp.int32),
        pltpu.VMEM((128,), jnp.float32),
        pltpu.VMEM_SHARED((NP,), jnp.float32),
    ],
)



def _mm_body(x_ref, w_ref, b_ref, d0_ref, d1_ref, sup_ref, feat_ref, dv_ref):
    sup = lax.dot_general(x_ref[...], w_ref[...], (((1,), (1,)), ((), ())),
                          preferred_element_type=jnp.float32) + b_ref[...]
    deg = d0_ref[0] + d1_ref[0] + 1.0
    dv = lax.rsqrt(deg)
    sup_ref[...] = sup
    feat_ref[...] = sup * dv
    dv_ref[...] = dv


def _mm_call(x_p, W, b2, degp):
    blk = 1024
    g = NP // blk
    return pl.pallas_call(
        _mm_body,
        grid=(g,),
        in_specs=[
            pl.BlockSpec((blk, DF), lambda j: (j, 0)),
            pl.BlockSpec((DF, DF), lambda j: (0, 0)),
            pl.BlockSpec((1, DF), lambda j: (0, 0)),
            pl.BlockSpec((1, blk, 1), lambda j: (0, j, 0)),
            pl.BlockSpec((1, blk, 1), lambda j: (1, j, 0)),
        ],
        out_specs=[
            pl.BlockSpec((blk, DF), lambda j: (j, 0)),
            pl.BlockSpec((blk, DF), lambda j: (j, 0)),
            pl.BlockSpec((blk, 1), lambda j: (j, 0)),
        ],
        out_shape=[
            jax.ShapeDtypeStruct((NP, DF), jnp.float32),
            jax.ShapeDtypeStruct((NP, DF), jnp.float32),
            jax.ShapeDtypeStruct((NP, 1), jnp.float32),
        ],
    )(x_p, W, b2, degp, degp)



def _spmm_body(feat_hbm, col_hbm, row_hbm, zeros_hbm, out_hbm,
               colv, rowv, rbuf, accum, sem0, sem1):
    c = lax.axis_index("c")
    s = lax.axis_index("s")
    w = c * 16 + s
    pltpu.sync_copy(zeros_hbm, accum.at[pl.ds(s * RPT, RPT)])
    plsc.subcore_barrier()

    sems = (sem0, sem1)

    @pl.loop(0, NB)
    def _block_loop(bi):
        base = w * CPT + bi * IB
        pltpu.sync_copy(col_hbm.at[pl.ds(base, IB)], colv)
        pltpu.sync_copy(row_hbm.at[pl.ds(base, IB)], rowv)
        pltpu.async_copy(feat_hbm.at[colv.at[0]], rbuf.at[0], sem0)
        pltpu.async_copy(feat_hbm.at[colv.at[1]], rbuf.at[1], sem1)

        @pl.loop(0, IB, step=2)
        def _edge_loop(g):
            for bslot in range(2):
                j = g + bslot
                sem = sems[bslot]
                pltpu.make_async_copy(feat_hbm.at[colv.at[0]],
                                      rbuf.at[bslot], sem).wait()
                pltpu.sync_copy(rbuf.at[bslot], accum.at[rowv.at[j]],
                                add=True)

                @pl.when(j + 2 < IB)
                def _issue():
                    pltpu.async_copy(feat_hbm.at[colv.at[j + 2]],
                                     rbuf.at[bslot], sem)

    plsc.subcore_barrier()
    pltpu.sync_copy(accum.at[pl.ds(s * RPT, RPT)],
                    out_hbm.at[pl.ds(c * NP + s * RPT, RPT)])


_spmm_call = pl.kernel(
    _spmm_body,
    out_type=jax.ShapeDtypeStruct((2 * NP, DF), jnp.float32),
    mesh=_MESH,
    scratch_types=[
        pltpu.VMEM((IB, 128), jnp.int32),
        pltpu.VMEM((IB, 128), jnp.int32),
        pltpu.VMEM((2, 128, DF), jnp.float32),
        pltpu.VMEM_SHARED((NP, DF), jnp.float32),
        pltpu.SemaphoreType.DMA,
        pltpu.SemaphoreType.DMA,
    ],
)



def _epi_body(p0_ref, p1_ref, feat_ref, sup_ref, dv_ref, out_ref):
    agg = (p0_ref[0] + p1_ref[0] + feat_ref[...]) * dv_ref[...]
    out_ref[...] = (agg * SM + sup_ref[...]) * (1.0 / (1.0 + SM))


def _epi_call(partial, feat, support, dv):
    blk = 1000
    g = N // blk
    return pl.pallas_call(
        _epi_body,
        grid=(g,),
        in_specs=[
            pl.BlockSpec((1, blk, DF), lambda j: (0, j, 0)),
            pl.BlockSpec((1, blk, DF), lambda j: (1, j, 0)),
            pl.BlockSpec((blk, DF), lambda j: (j, 0)),
            pl.BlockSpec((blk, DF), lambda j: (j, 0)),
            pl.BlockSpec((blk, 1), lambda j: (j, 0)),
        ],
        out_specs=pl.BlockSpec((blk, DF), lambda j: (j, 0)),
        out_shape=jax.ShapeDtypeStruct((N, DF), jnp.float32),
    )(partial, partial, feat, support, dv)



def kernel(x, edge_index, W, b):
    ei = edge_index.astype(jnp.int32)
    row = ei[0]
    col = ei[1]
    colp = jnp.full((EP,), TRASH, jnp.int32).at[:E].set(col)
    rowp = jnp.full((EP,), TRASH, jnp.int32).at[:E].set(row)
    x_p = jnp.zeros((NP, DF), jnp.float32).at[:N].set(x)

    ones128 = jnp.ones((128,), jnp.float32)
    zeros1 = jnp.zeros((RPT,), jnp.float32)
    zeros128 = jnp.zeros((RPT, DF), jnp.float32)

    degp = _deg_call(colp.reshape(CH, 128), ones128, zeros1).reshape(2, NP, 1)
    support, feat, dv = _mm_call(x_p, W, b.reshape(1, DF), degp)
    partial = _spmm_call(feat, colp.reshape(CH, 128),
                         rowp.reshape(CH, 128), zeros128).reshape(2, NP, DF)
    return _epi_call(partial, feat, support, dv)

# --- scband reference (transcript-rebuilt; emitter-appended) ---
"""Pipeline reference for scband-gc-withres-61272003444924 (READ-ONLY COPY).

The authoritative reference and input builder live on the scoring server;
editing this copy changes nothing except your own understanding.
"""

import jax, jax.numpy as jnp
import numpy as np

N_NODES = 10000
N_EDGES = 320000
D_IN = 128
D_OUT = 128
SMOOTH = 0.5

def setup_inputs(seed: int = 0) -> dict:
    key = jax.random.key(seed)
    k1, k2, k3, k4 = jax.random.split(key, 4)
    x = jax.random.normal(k1, (N_NODES, D_IN), dtype=jnp.float32)
    edge_index = jax.random.randint(k2, (2, N_EDGES), 0, N_NODES, dtype=jnp.int64)
    # nn.Linear(in_features, out_features) params: W [out, in], b [out]
    bound = 1.0 / np.sqrt(D_IN)
    W = jax.random.uniform(k3, (D_OUT, D_IN), minval=-bound, maxval=bound, dtype=jnp.float32)
    b = jax.random.uniform(k4, (D_OUT,), minval=-bound, maxval=bound, dtype=jnp.float32)
    return {"x": x, "edge_index": edge_index, "W": W, "b": b}

def reference(x, edge_index, W, b):
    N = x.shape[0]
    # support = self.mlp(input)
    support = x @ W.T + b
    row = edge_index[0]
    col = edge_index[1]
    # A_gcn = adj + I_n; degrees = sparse.sum(A_gcn, dim=0) (column sums)
    deg = jnp.zeros((N,), dtype=x.dtype).at[col].add(1.0) + 1.0
    D = jnp.power(deg, -0.5)[:, None]  # [N, 1]
    # A_gcn_feature = support * D (row-wise scale)
    feat = support * D
    # spmm(A_gcn, feat) = feat (identity part) + scatter-add of gathered neighbor feats
    agg = feat + jnp.zeros_like(feat).at[row].add(feat[col])
    agg = agg * D
    out = (agg * SMOOTH + support) / (1.0 + SMOOTH)
    return out

if __name__ == "__main__":
    import jax
    _d = setup_inputs()
    print(jax.jit(kernel)(*tuple(_d.values())))

</pallas_src>

<mosaic_0001>
#map = affine_map<(d0, d1) -> (0, 0)>
module attributes {stable_mosaic.version = 14 : i64} {
  func.func @_spmm_body(%arg0: i32, %arg1: i32, %arg2: memref<10240x128xf32, #tpu.memory_space<hbm>>, %arg3: memref<2560x128xi32, #tpu.memory_space<hbm>>, %arg4: memref<2560x128xi32, #tpu.memory_space<hbm>>, %arg5: memref<640x128xf32, #tpu.memory_space<hbm>>, %arg6: memref<20480x128xf32, #tpu.memory_space<hbm>>, %arg7: memref<16x128xi32, #tpu.memory_space<vmem>>, %arg8: memref<16x128xi32, #tpu.memory_space<vmem>>, %arg9: memref<2x128x128xf32, #tpu.memory_space<vmem>>, %arg10: memref<10240x128xf32, #tpu.memory_space<vmem_shared>>, %arg11: memref<!tpu.dma_semaphore, #tpu.memory_space<semaphore_mem>>, %arg12: memref<!tpu.dma_semaphore, #tpu.memory_space<semaphore_mem>>) attributes {dimension_semantics = [#tpu.dimension_semantics<core_parallel>, #tpu.dimension_semantics<subcore_parallel>], iteration_bounds = array<i64: 2, 16>, scalar_prefetch = 0 : i64, scratch_operands = 6 : i64, tpu.core_type = #tpu.core_type<sc_vector_subcore>, window_params = [{transform_indices = #map}, {transform_indices = #map}, {transform_indices = #map}, {transform_indices = #map}, {transform_indices = #map}]} {
    %mul3A = arith.constant 16 : i32
    %mul3A_0 = arith.muli %arg0, %mul3A : i32
    %add3A = arith.addi %mul3A_0, %arg1 : i32
    %mul3A_1 = arith.constant 640 : i32
    %mul3A_2 = arith.muli %arg1, %mul3A_1 : i32
    "tpu.region"() ({
      %run_scoped3A = tpu.sem_alloc : memref<!tpu.dma_semaphore, #tpu.memory_space<semaphore_mem>>
      %dma_start3A = arith.constant 0 : i32
      %dma_start3A_15 = tpu.memref_slice %arg10[%mul3A_2, %dma_start3A] : memref<10240x128xf32, #tpu.memory_space<vmem_shared>> -> memref<640x128xf32, #tpu.memory_space<vmem_shared>>
      tpu.enqueue_dma source(%arg5 : memref<640x128xf32, #tpu.memory_space<hbm>>) target(%dma_start3A_15 : memref<640x128xf32, #tpu.memory_space<vmem_shared>>) target_semaphore(%run_scoped3A : memref<!tpu.dma_semaphore, #tpu.memory_space<semaphore_mem>>)
      %dma_wait3A = arith.constant 0 : i32
      %dma_wait3A_16 = tpu.memref_slice %arg10[%mul3A_2, %dma_wait3A] : memref<10240x128xf32, #tpu.memory_space<vmem_shared>> -> memref<640x128xf32, #tpu.memory_space<vmem_shared>>
      tpu.wait_dma2 semaphore(%run_scoped3A : memref<!tpu.dma_semaphore, #tpu.memory_space<semaphore_mem>>) src(%arg5 : memref<640x128xf32, #tpu.memory_space<hbm>>) dst(%dma_wait3A_16 : memref<640x128xf32, #tpu.memory_space<vmem_shared>>)
      tpu.yield
    }) : () -> ()
    %barrier3A = arith.constant 0 : index
    tpu.barrier barrier_id(%barrier3A)
    %scan3A = arith.constant 0 : i32
    %scan3A_3 = arith.constant 5 : i32
    %scan3A_4 = arith.addi %scan3A, %scan3A_3 : i32
    %scan3A_5 = arith.constant 1 : i32
    scf.for %scan3A_15 = %scan3A to %scan3A_4 step %scan3A_5  : i32 {
      %mul3A_16 = arith.constant 1 : i32
      %mul3A_17 = arith.muli %scan3A_15, %mul3A_16 : i32
      %add3A_18 = arith.constant 0 : i32
      %add3A_19 = arith.addi %add3A_18, %mul3A_17 : i32
      %mul3A_20 = arith.constant 80 : i32
      %mul3A_21 = arith.muli %add3A, %mul3A_20 : i32
      %mul3A_22 = arith.constant 16 : i32
      %mul3A_23 = arith.muli %add3A_19, %mul3A_22 : i32
      %add3A_24 = arith.addi %mul3A_21, %mul3A_23 : i32
      "tpu.region"() ({
        %run_scoped3A = tpu.sem_alloc : memref<!tpu.dma_semaphore, #tpu.memory_space<semaphore_mem>>
        %dma_start3A_53 = arith.constant 0 : i32
        %dma_start3A_54 = tpu.memref_slice %arg3[%add3A_24, %dma_start3A_53] : memref<2560x128xi32, #tpu.memory_space<hbm>> -> memref<16x128xi32, #tpu.memory_space<hbm>>
        %dma_start3A_55 = arith.constant 0 : i32
        %dma_start3A_56 = tpu.memref_slice %arg3[%add3A_24, %dma_start3A_55] : memref<2560x128xi32, #tpu.memory_space<hbm>> -> memref<16x128xi32, #tpu.memory_space<hbm>>
        tpu.enqueue_dma source(%dma_start3A_56 : memref<16x128xi32, #tpu.memory_space<hbm>>) target(%arg7 : memref<16x128xi32, #tpu.memory_space<vmem>>) target_semaphore(%run_scoped3A : memref<!tpu.dma_semaphore, #tpu.memory_space<semaphore_mem>>)
        %dma_wait3A = arith.constant 0 : i32
        %dma_wait3A_57 = tpu.memref_slice %arg3[%add3A_24, %dma_wait3A] : memref<2560x128xi32, #tpu.memory_space<hbm>> -> memref<16x128xi32, #tpu.memory_space<hbm>>
        %dma_wait3A_58 = arith.constant 0 : i32
        %dma_wait3A_59 = tpu.memref_slice %arg3[%add3A_24, %dma_wait3A_58] : memref<2560x128xi32, #tpu.memory_space<hbm>> -> memref<16x128xi32, #tpu.memory_space<hbm>>
        tpu.wait_dma2 semaphore(%run_scoped3A : memref<!tpu.dma_semaphore, #tpu.memory_space<semaphore_mem>>) src(%dma_wait3A_59 : memref<16x128xi32, #tpu.memory_space<hbm>>) dst(%arg7 : memref<16x128xi32, #tpu.memory_space<vmem>>)
        tpu.yield
      }) : () -> ()
      "tpu.region"() ({
        %run_scoped3A = tpu.sem_alloc : memref<!tpu.dma_semaphore, #tpu.memory_space<semaphore_mem>>
        %dma_start3A_53 = arith.constant 0 : i32
        %dma_start3A_54 = tpu.memref_slice %arg4[%add3A_24, %dma_start3A_53] : memref<2560x128xi32, #tpu.memory_space<hbm>> -> memref<16x128xi32, #tpu.memory_space<hbm>>
        %dma_start3A_55 = arith.constant 0 : i32
        %dma_start3A_56 = tpu.memref_slice %arg4[%add3A_24, %dma_start3A_55] : memref<2560x128xi32, #tpu.memory_space<hbm>> -> memref<16x128xi32, #tpu.memory_space<hbm>>
        tpu.enqueue_dma source(%dma_start3A_56 : memref<16x128xi32, #tpu.memory_space<hbm>>) target(%arg8 : memref<16x128xi32, #tpu.memory_space<vmem>>) target_semaphore(%run_scoped3A : memref<!tpu.dma_semaphore, #tpu.memory_space<semaphore_mem>>)
        %dma_wait3A = arith.constant 0 : i32
        %dma_wait3A_57 = tpu.memref_slice %arg4[%add3A_24, %dma_wait3A] : memref<2560x128xi32, #tpu.memory_space<hbm>> -> memref<16x128xi32, #tpu.memory_space<hbm>>
        %dma_wait3A_58 = arith.constant 0 : i32
        %dma_wait3A_59 = tpu.memref_slice %arg4[%add3A_24, %dma_wait3A_58] : memref<2560x128xi32, #tpu.memory_space<hbm>> -> memref<16x128xi32, #tpu.memory_space<hbm>>
        tpu.wait_dma2 semaphore(%run_scoped3A : memref<!tpu.dma_semaphore, #tpu.memory_space<semaphore_mem>>) src(%dma_wait3A_59 : memref<16x128xi32, #tpu.memory_space<hbm>>) dst(%arg8 : memref<16x128xi32, #tpu.memory_space<vmem>>)
        tpu.yield
      }) : () -> ()
      %dma_start3A = arith.constant 0 : i32
      %dma_start3A_25 = arith.constant 0 : i32
      %dma_start3A_26 = arith.constant 0 : i32
      %dma_start3A_27 = arith.constant 0 : i32
      %dma_start3A_28 = tpu.memref_slice %arg9[%dma_start3A_25, %dma_start3A_26, %dma_start3A_27] : memref<2x128x128xf32, #tpu.memory_space<vmem>> -> memref<1x128x128xf32, #tpu.memory_space<vmem>>
      %dma_start3A_29 = tpu.memref_squeeze %dma_start3A_28 : memref<1x128x128xf32, #tpu.memory_space<vmem>> -> memref<128x128xf32, #tpu.memory_space<vmem>>
      %dma_start3A_30 = arith.constant 0 : i32
      %dma_start3A_31 = tpu.memref_slice %arg7[%dma_start3A, %dma_start3A_30] : memref<16x128xi32, #tpu.memory_space<vmem>> -> memref<1x128xi32, #tpu.memory_space<vmem>>
      %dma_start3A_32 = tpu.memref_squeeze %dma_start3A_31 : memref<1x128xi32, #tpu.memory_space<vmem>> -> memref<128xi32, #tpu.memory_space<vmem>>
      %dma_start3A_33 = arith.constant 0 : i32
      %dma_start3A_34 = arith.constant 0 : i32
      %dma_start3A_35 = tpu.memref_slice %arg2[%dma_start3A_33, %dma_start3A_34] : memref<10240x128xf32, #tpu.memory_space<hbm>> -> memref<10240x128xf32, #tpu.memory_space<hbm>>
      tpu.enqueue_indirect_dma source(%dma_start3A_35 : memref<10240x128xf32, #tpu.memory_space<hbm>>) target(%dma_start3A_29 : memref<128x128xf32, #tpu.memory_space<vmem>>) offsets(%dma_start3A_32 : memref<128xi32, #tpu.memory_space<vmem>>) semaphore(%arg11 : memref<!tpu.dma_semaphore, #tpu.memory_space<semaphore_mem>>)
      %dma_start3A_36 = arith.constant 1 : i32
      %dma_start3A_37 = arith.constant 1 : i32
      %dma_start3A_38 = arith.constant 0 : i32
      %dma_start3A_39 = arith.constant 0 : i32
      %dma_start3A_40 = tpu.memref_slice %arg9[%dma_start3A_37, %dma_start3A_38, %dma_start3A_39] : memref<2x128x128xf32, #tpu.memory_space<vmem>> -> memref<1x128x128xf32, #tpu.memory_space<vmem>>
      %dma_start3A_41 = tpu.memref_squeeze %dma_start3A_40 : memref<1x128x128xf32, #tpu.memory_space<vmem>> -> memref<128x128xf32, #tpu.memory_space<vmem>>
      %dma_start3A_42 = arith.constant 0 : i32
      %dma_start3A_43 = tpu.memref_slice %arg7[%dma_start3A_36, %dma_start3A_42] : memref<16x128xi32, #tpu.memory_space<vmem>> -> memref<1x128xi32, #tpu.memory_space<vmem>>
      %dma_start3A_44 = tpu.memref_squeeze %dma_start3A_43 : memref<1x128xi32, #tpu.memory_space<vmem>> -> memref<128xi32, #tpu.memory_space<vmem>>
      %dma_start3A_45 = arith.constant 0 : i32
      %dma_start3A_46 = arith.constant 0 : i32
      %dma_start3A_47 = tpu.memref_slice %arg2[%dma_start3A_45, %dma_start3A_46] : memref<10240x128xf32, #tpu.memory_space<hbm>> -> memref<10240x128xf32, #tpu.memory_space<hbm>>
      tpu.enqueue_indirect_dma source(%dma_start3A_47 : memref<10240x128xf32, #tpu.memory_space<hbm>>) target(%dma_start3A_41 : memref<128x128xf32, #tpu.memory_space<vmem>>) offsets(%dma_start3A_44 : memref<128xi32, #tpu.memory_space<vmem>>) semaphore(%arg12 : memref<!tpu.dma_semaphore, #tpu.memory_space<semaphore_mem>>)
      %scan3A_48 = arith.constant 0 : i32
      %scan3A_49 = arith.constant 8 : i32
      %scan3A_50 = arith.addi %scan3A_48, %scan3A_49 : i32
      %scan3A_51 = arith.constant 1 : i32
      scf.for %scan3A_53 = %scan3A_48 to %scan3A_50 step %scan3A_51  : i32 {
        %mul3A_54 = arith.constant 2 : i32
        %mul3A_55 = arith.muli %scan3A_53, %mul3A_54 : i32
        %add3A_56 = arith.constant 0 : i32
        %add3A_57 = arith.addi %add3A_56, %mul3A_55 : i32
        %add3A_58 = arith.constant 0 : i32
        %add3A_59 = arith.addi %add3A_57, %add3A_58 : i32
        %dma_wait3A = arith.constant 0 : i32
        %dma_wait3A_60 = arith.constant 0 : i32
        %dma_wait3A_61 = arith.constant 0 : i32
        %dma_wait3A_62 = arith.constant 0 : i32
        %dma_wait3A_63 = tpu.memref_slice %arg9[%dma_wait3A_60, %dma_wait3A_61, %dma_wait3A_62] : memref<2x128x128xf32, #tpu.memory_space<vmem>> -> memref<1x128x128xf32, #tpu.memory_space<vmem>>
        %dma_wait3A_64 = tpu.memref_squeeze %dma_wait3A_63 : memref<1x128x128xf32, #tpu.memory_space<vmem>> -> memref<128x128xf32, #tpu.memory_space<vmem>>
        %dma_wait3A_65 = arith.constant 0 : i32
        %dma_wait3A_66 = tpu.memref_slice %arg7[%dma_wait3A, %dma_wait3A_65] : memref<16x128xi32, #tpu.memory_space<vmem>> -> memref<1x128xi32, #tpu.memory_space<vmem>>
        %dma_wait3A_67 = tpu.memref_squeeze %dma_wait3A_66 : memref<1x128xi32, #tpu.memory_space<vmem>> -> memref<128xi32, #tpu.memory_space<vmem>>
        %dma_wait3A_68 = arith.constant 0 : i32
        %dma_wait3A_69 = arith.constant 0 : i32
        %dma_wait3A_70 = tpu.memref_slice %arg2[%dma_wait3A_68, %dma_wait3A_69] : memref<10240x128xf32, #tpu.memory_space<hbm>> -> memref<10240x128xf32, #tpu.memory_space<hbm>>
        tpu.wait_indirect_dma semaphore(%arg11 : memref<!tpu.dma_semaphore, #tpu.memory_space<semaphore_mem>>) src(%dma_wait3A_70 : memref<10240x128xf32, #tpu.memory_space<hbm>>) dst(%dma_wait3A_64 : memref<128x128xf32, #tpu.memory_space<vmem>>)
        %run_scoped3A = arith.constant 0 : i32
        "tpu.region"() ({
          %run_scoped3A_97 = tpu.sem_alloc : memref<!tpu.dma_semaphore, #tpu.memory_space<semaphore_mem>>
          %dma_start3A_98 = arith.constant 0 : i32
          %dma_start3A_99 = arith.constant 0 : i32
          %dma_start3A_100 = tpu.memref_slice %arg9[%run_scoped3A, %dma_start3A_98, %dma_start3A_99] : memref<2x128x128xf32, #tpu.memory_space<vmem>> -> memref<1x128x128xf32, #tpu.memory_space<vmem>>
          %dma_start3A_101 = tpu.memref_squeeze %dma_start3A_100 : memref<1x128x128xf32, #tpu.memory_space<vmem>> -> memref<128x128xf32, #tpu.memory_space<vmem>>
          %dma_start3A_102 = arith.constant 0 : i32
          %dma_start3A_103 = tpu.memref_slice %arg8[%add3A_59, %dma_start3A_102] : memref<16x128xi32, #tpu.memory_space<vmem>> -> memref<1x128xi32, #tpu.memory_space<vmem>>
          %dma_start3A_104 = tpu.memref_squeeze %dma_start3A_103 : memref<1x128xi32, #tpu.memory_space<vmem>> -> memref<128xi32, #tpu.memory_space<vmem>>
          %dma_start3A_105 = arith.constant 0 : i32
          %dma_start3A_106 = arith.constant 0 : i32
          %dma_start3A_107 = tpu.memref_slice %arg10[%dma_start3A_105, %dma_start3A_106] : memref<10240x128xf32, #tpu.memory_space<vmem_shared>> -> memref<10240x128xf32, #tpu.memory_space<vmem_shared>>
          tpu.enqueue_indirect_dma source(%dma_start3A_101 : memref<128x128xf32, #tpu.memory_space<vmem>>) target(%dma_start3A_107 : memref<10240x128xf32, #tpu.memory_space<vmem_shared>>) offsets(%dma_start3A_104 : memref<128xi32, #tpu.memory_space<vmem>>) semaphore(%run_scoped3A_97 : memref<!tpu.dma_semaphore, #tpu.memory_space<semaphore_mem>>) {add = true}
          %dma_wait3A_108 = arith.constant 0 : i32
          %dma_wait3A_109 = arith.constant 0 : i32
          %dma_wait3A_110 = tpu.memref_slice %arg9[%run_scoped3A, %dma_wait3A_108, %dma_wait3A_109] : memref<2x128x128xf32, #tpu.memory_space<vmem>> -> memref<1x128x128xf32, #tpu.memory_space<vmem>>
          %dma_wait3A_111 = tpu.memref_squeeze %dma_wait3A_110 : memref<1x128x128xf32, #tpu.memory_space<vmem>> -> memref<128x128xf32, #tpu.memory_space<vmem>>
          %dma_wait3A_112 = arith.constant 0 : i32
          %dma_wait3A_113 = tpu.memref_slice %arg8[%add3A_59, %dma_wait3A_112] : memref<16x128xi32, #tpu.memory_space<vmem>> -> memref<1x128xi32, #tpu.memory_space<vmem>>
          %dma_wait3A_114 = tpu.memref_squeeze %dma_wait3A_113 : memref<1x128xi32, #tpu.memory_space<vmem>> -> memref<128xi32, #tpu.memory_space<vmem>>
          %dma_wait3A_115 = arith.constant 0 : i32
          %dma_wait3A_116 = arith.constant 0 : i32
          %dma_wait3A_117 = tpu.memref_slice %arg10[%dma_wait3A_115, %dma_wait3A_116] : memref<10240x128xf32, #tpu.memory_space<vmem_shared>> -> memref<10240x128xf32, #tpu.memory_space<vmem_shared>>
          tpu.wait_indirect_dma semaphore(%run_scoped3A_97 : memref<!tpu.dma_semaphore, #tpu.memory_space<semaphore_mem>>) src(%dma_wait3A_111 : memref<128x128xf32, #tpu.memory_space<vmem>>) dst(%dma_wait3A_117 : memref<10240x128xf32, #tpu.memory_space<vmem_shared>>)
          tpu.yield
        }) : () -> ()
        %add3A_71 = arith.constant 2 : i32
        %add3A_72 = arith.addi %add3A_59, %add3A_71 : i32
        %lt3A = arith.constant 16 : i32
        %lt3A_73 = arith.cmpi slt, %add3A_72, %lt3A : i32
        %convert_element_type3A = arith.extui %lt3A_73 : i1 to i32
        %cond3A = arith.constant 0 : i32
        %cond3A_74 = arith.cmpi ne, %convert_element_type3A, %cond3A : i32
        scf.if %cond3A_74 {
          %add3A_97 = arith.constant 2 : i32
          %add3A_98 = arith.addi %add3A_59, %add3A_97 : i32
          %dma_start3A_99 = arith.constant 0 : i32
          %dma_start3A_100 = arith.constant 0 : i32
          %dma_start3A_101 = arith.constant 0 : i32
          %dma_start3A_102 = tpu.memref_slice %arg9[%dma_start3A_99, %dma_start3A_100, %dma_start3A_101] : memref<2x128x128xf32, #tpu.memory_space<vmem>> -> memref<1x128x128xf32, #tpu.memory_space<vmem>>
          %dma_start3A_103 = tpu.memref_squeeze %dma_start3A_102 : memref<1x128x128xf32, #tpu.memory_space<vmem>> -> memref<128x128xf32, #tpu.memory_space<vmem>>
          %dma_start3A_104 = arith.constant 0 : i32
          %dma_start3A_105 = tpu.memref_slice %arg7[%add3A_98, %dma_start3A_104] : memref<16x128xi32, #tpu.memory_space<vmem>> -> memref<1x128xi32, #tpu.memory_space<vmem>>
          %dma_start3A_106 = tpu.memref_squeeze %dma_start3A_105 : memref<1x128xi32, #tpu.memory_space<vmem>> -> memref<128xi32, #tpu.memory_space<vmem>>
          %dma_start3A_107 = arith.constant 0 : i32
          %dma_start3A_108 = arith.constant 0 : i32
          %dma_start3A_109 = tpu.memref_slice %arg2[%dma_start3A_107, %dma_start3A_108] : memref<10240x128xf32, #tpu.memory_space<hbm>> -> memref<10240x128xf32, #tpu.memory_space<hbm>>
          tpu.enqueue_indirect_dma source(%dma_start3A_109 : memref<10240x128xf32, #tpu.memory_space<hbm>>) target(%dma_start3A_103 : memref<128x128xf32, #tpu.memory_space<vmem>>) offsets(%dma_start3A_106 : memref<128xi32, #tpu.memory_space<vmem>>) semaphore(%arg11 : memref<!tpu.dma_semaphore, #tpu.memory_space<semaphore_mem>>)
        } else {
        }
        %add3A_75 = arith.constant 1 : i32
        %add3A_76 = arith.addi %add3A_57, %add3A_75 : i32
        %dma_wait3A_77 = arith.constant 0 : i32
        %dma_wait3A_78 = arith.constant 1 : i32
        %dma_wait3A_79 = arith.constant 0 : i32
        %dma_wait3A_80 = arith.constant 0 : i32
        %dma_wait3A_81 = tpu.memref_slice %arg9[%dma_wait3A_78, %dma_wait3A_79, %dma_wait3A_80] : memref<2x128x128xf32, #tpu.memory_space<vmem>> -> memref<1x128x128xf32, #tpu.memory_space<vmem>>
        %dma_wait3A_82 = tpu.memref_squeeze %dma_wait3A_81 : memref<1x128x128xf32, #tpu.memory_space<vmem>> -> memref<128x128xf32, #tpu.memory_space<vmem>>
        %dma_wait3A_83 = arith.constant 0 : i32
        %dma_wait3A_84 = tpu.memref_slice %arg7[%dma_wait3A_77, %dma_wait3A_83] : memref<16x128xi32, #tpu.memory_space<vmem>> -> memref<1x128xi32, #tpu.memory_space<vmem>>
        %dma_wait3A_85 = tpu.memref_squeeze %dma_wait3A_84 : memref<1x128xi32, #tpu.memory_space<vmem>> -> memref<128xi32, #tpu.memory_space<vmem>>
        %dma_wait3A_86 = arith.constant 0 : i32
        %dma_wait3A_87 = arith.constant 0 : i32
        %dma_wait3A_88 = tpu.memref_slice %arg2[%dma_wait3A_86, %dma_wait3A_87] : memref<10240x128xf32, #tpu.memory_space<hbm>> -> memref<10240x128xf32, #tpu.memory_space<hbm>>
        tpu.wait_indirect_dma semaphore(%arg12 : memref<!tpu.dma_semaphore, #tpu.memory_space<semaphore_mem>>) src(%dma_wait3A_88 : memref<10240x128xf32, #tpu.memory_space<hbm>>) dst(%dma_wait3A_82 : memref<128x128xf32, #tpu.memory_space<vmem>>)
        %run_scoped3A_89 = arith.constant 1 : i32
        "tpu.region"() ({
          %run_scoped3A_97 = tpu.sem_alloc : memref<!tpu.dma_semaphore, #tpu.memory_space<semaphore_mem>>
          %dma_start3A_98 = arith.constant 0 : i32
          %dma_start3A_99 = arith.constant 0 : i32
          %dma_start3A_100 = tpu.memref_slice %arg9[%run_scoped3A_89, %dma_start3A_98, %dma_start3A_99] : memref<2x128x128xf32, #tpu.memory_space<vmem>> -> memref<1x128x128xf32, #tpu.memory_space<vmem>>
          %dma_start3A_101 = tpu.memref_squeeze %dma_start3A_100 : memref<1x128x128xf32, #tpu.memory_space<vmem>> -> memref<128x128xf32, #tpu.memory_space<vmem>>
          %dma_start3A_102 = arith.constant 0 : i32
          %dma_start3A_103 = tpu.memref_slice %arg8[%add3A_76, %dma_start3A_102] : memref<16x128xi32, #tpu.memory_space<vmem>> -> memref<1x128xi32, #tpu.memory_space<vmem>>
          %dma_start3A_104 = tpu.memref_squeeze %dma_start3A_103 : memref<1x128xi32, #tpu.memory_space<vmem>> -> memref<128xi32, #tpu.memory_space<vmem>>
          %dma_start3A_105 = arith.constant 0 : i32
          %dma_start3A_106 = arith.constant 0 : i32
          %dma_start3A_107 = tpu.memref_slice %arg10[%dma_start3A_105, %dma_start3A_106] : memref<10240x128xf32, #tpu.memory_space<vmem_shared>> -> memref<10240x128xf32, #tpu.memory_space<vmem_shared>>
          tpu.enqueue_indirect_dma source(%dma_start3A_101 : memref<128x128xf32, #tpu.memory_space<vmem>>) target(%dma_start3A_107 : memref<10240x128xf32, #tpu.memory_space<vmem_shared>>) offsets(%dma_start3A_104 : memref<128xi32, #tpu.memory_space<vmem>>) semaphore(%run_scoped3A_97 : memref<!tpu.dma_semaphore, #tpu.memory_space<semaphore_mem>>) {add = true}
          %dma_wait3A_108 = arith.constant 0 : i32
          %dma_wait3A_109 = arith.constant 0 : i32
          %dma_wait3A_110 = tpu.memref_slice %arg9[%run_scoped3A_89, %dma_wait3A_108, %dma_wait3A_109] : memref<2x128x128xf32, #tpu.memory_space<vmem>> -> memref<1x128x128xf32, #tpu.memory_space<vmem>>
          %dma_wait3A_111 = tpu.memref_squeeze %dma_wait3A_110 : memref<1x128x128xf32, #tpu.memory_space<vmem>> -> memref<128x128xf32, #tpu.memory_space<vmem>>
          %dma_wait3A_112 = arith.constant 0 : i32
          %dma_wait3A_113 = tpu.memref_slice %arg8[%add3A_76, %dma_wait3A_112] : memref<16x128xi32, #tpu.memory_space<vmem>> -> memref<1x128xi32, #tpu.memory_space<vmem>>
          %dma_wait3A_114 = tpu.memref_squeeze %dma_wait3A_113 : memref<1x128xi32, #tpu.memory_space<vmem>> -> memref<128xi32, #tpu.memory_space<vmem>>
          %dma_wait3A_115 = arith.constant 0 : i32
          %dma_wait3A_116 = arith.constant 0 : i32
          %dma_wait3A_117 = tpu.memref_slice %arg10[%dma_wait3A_115, %dma_wait3A_116] : memref<10240x128xf32, #tpu.memory_space<vmem_shared>> -> memref<10240x128xf32, #tpu.memory_space<vmem_shared>>
          tpu.wait_indirect_dma semaphore(%run_scoped3A_97 : memref<!tpu.dma_semaphore, #tpu.memory_space<semaphore_mem>>) src(%dma_wait3A_111 : memref<128x128xf32, #tpu.memory_space<vmem>>) dst(%dma_wait3A_117 : memref<10240x128xf32, #tpu.memory_space<vmem_shared>>)
          tpu.yield
        }) : () -> ()
        %add3A_90 = arith.constant 2 : i32
        %add3A_91 = arith.addi %add3A_76, %add3A_90 : i32
        %lt3A_92 = arith.constant 16 : i32
        %lt3A_93 = arith.cmpi slt, %add3A_91, %lt3A_92 : i32
        %convert_element_type3A_94 = arith.extui %lt3A_93 : i1 to i32
        %cond3A_95 = arith.constant 0 : i32
        %cond3A_96 = arith.cmpi ne, %convert_element_type3A_94, %cond3A_95 : i32
        scf.if %cond3A_96 {
          %add3A_97 = arith.constant 2 : i32
          %add3A_98 = arith.addi %add3A_76, %add3A_97 : i32
          %dma_start3A_99 = arith.constant 1 : i32
          %dma_start3A_100 = arith.constant 0 : i32
          %dma_start3A_101 = arith.constant 0 : i32
          %dma_start3A_102 = tpu.memref_slice %arg9[%dma_start3A_99, %dma_start3A_100, %dma_start3A_101] : memref<2x128x128xf32, #tpu.memory_space<vmem>> -> memref<1x128x128xf32, #tpu.memory_space<vmem>>
          %dma_start3A_103 = tpu.memref_squeeze %dma_start3A_102 : memref<1x128x128xf32, #tpu.memory_space<vmem>> -> memref<128x128xf32, #tpu.memory_space<vmem>>
          %dma_start3A_104 = arith.constant 0 : i32
          %dma_start3A_105 = tpu.memref_slice %arg7[%add3A_98, %dma_start3A_104] : memref<16x128xi32, #tpu.memory_space<vmem>> -> memref<1x128xi32, #tpu.memory_space<vmem>>
          %dma_start3A_106 = tpu.memref_squeeze %dma_start3A_105 : memref<1x128xi32, #tpu.memory_space<vmem>> -> memref<128xi32, #tpu.memory_space<vmem>>
          %dma_start3A_107 = arith.constant 0 : i32
          %dma_start3A_108 = arith.constant 0 : i32
          %dma_start3A_109 = tpu.memref_slice %arg2[%dma_start3A_107, %dma_start3A_108] : memref<10240x128xf32, #tpu.memory_space<hbm>> -> memref<10240x128xf32, #tpu.memory_space<hbm>>
          tpu.enqueue_indirect_dma source(%dma_start3A_109 : memref<10240x128xf32, #tpu.memory_space<hbm>>) target(%dma_start3A_103 : memref<128x128xf32, #tpu.memory_space<vmem>>) offsets(%dma_start3A_106 : memref<128xi32, #tpu.memory_space<vmem>>) semaphore(%arg12 : memref<!tpu.dma_semaphore, #tpu.memory_space<semaphore_mem>>)
        } else {
        }
      }
      %scan3A_52 = arith.constant 8 : i32
    }
    %scan3A_6 = arith.constant 5 : i32
    %barrier3A_7 = arith.constant 0 : index
    tpu.barrier barrier_id(%barrier3A_7)
    %mul3A_8 = arith.constant 640 : i32
    %mul3A_9 = arith.muli %arg1, %mul3A_8 : i32
    %mul3A_10 = arith.constant 10240 : i32
    %mul3A_11 = arith.muli %arg0, %mul3A_10 : i32
    %mul3A_12 = arith.constant 640 : i32
    %mul3A_13 = arith.muli %arg1, %mul3A_12 : i32
    %add3A_14 = arith.addi %mul3A_11, %mul3A_13 : i32
    "tpu.region"() ({
      %run_scoped3A = tpu.sem_alloc : memref<!tpu.dma_semaphore, #tpu.memory_space<semaphore_mem>>
      %dma_start3A = arith.constant 0 : i32
      %dma_start3A_15 = tpu.memref_slice %arg6[%add3A_14, %dma_start3A] : memref<20480x128xf32, #tpu.memory_space<hbm>> -> memref<640x128xf32, #tpu.memory_space<hbm>>
      %dma_start3A_16 = arith.constant 0 : i32
      %dma_start3A_17 = tpu.memref_slice %arg10[%mul3A_9, %dma_start3A_16] : memref<10240x128xf32, #tpu.memory_space<vmem_shared>> -> memref<640x128xf32, #tpu.memory_space<vmem_shared>>
      tpu.enqueue_dma source(%dma_start3A_17 : memref<640x128xf32, #tpu.memory_space<vmem_shared>>) target(%dma_start3A_15 : memref<640x128xf32, #tpu.memory_space<hbm>>) target_semaphore(%run_scoped3A : memref<!tpu.dma_semaphore, #tpu.memory_space<semaphore_mem>>)
      %dma_wait3A = arith.constant 0 : i32
      %dma_wait3A_18 = tpu.memref_slice %arg6[%add3A_14, %dma_wait3A] : memref<20480x128xf32, #tpu.memory_space<hbm>> -> memref<640x128xf32, #tpu.memory_space<hbm>>
      %dma_wait3A_19 = arith.constant 0 : i32
      %dma_wait3A_20 = tpu.memref_slice %arg10[%mul3A_9, %dma_wait3A_19] : memref<10240x128xf32, #tpu.memory_space<vmem_shared>> -> memref<640x128xf32, #tpu.memory_space<vmem_shared>>
      tpu.wait_dma2 semaphore(%run_scoped3A : memref<!tpu.dma_semaphore, #tpu.memory_space<semaphore_mem>>) src(%dma_wait3A_20 : memref<640x128xf32, #tpu.memory_space<vmem_shared>>) dst(%dma_wait3A_18 : memref<640x128xf32, #tpu.memory_space<hbm>>)
      tpu.yield
    }) : () -> ()
    return
  }
}

#map = affine_map<(d0, d1) -> (0, 0)>
#map1 = affine_map<(d0, d1) -> (0)>
module attributes {stable_mosaic.version = 14 : i64} {
  func.func @_deg_body(%arg0: i32, %arg1: i32, %arg2: memref<2560x128xi32, #tpu.memory_space<hbm>>, %arg3: memref<128xf32, #tpu.memory_space<hbm>>, %arg4: memref<640xf32, #tpu.memory_space<hbm>>, %arg5: memref<20480xf32, #tpu.memory_space<hbm>>, %arg6: memref<80x128xi32, #tpu.memory_space<vmem>>, %arg7: memref<128xf32, #tpu.memory_space<vmem>>, %arg8: memref<10240xf32, #tpu.memory_space<vmem_shared>>) attributes {dimension_semantics = [#tpu.dimension_semantics<core_parallel>, #tpu.dimension_semantics<subcore_parallel>], iteration_bounds = array<i64: 2, 16>, scalar_prefetch = 0 : i64, scratch_operands = 3 : i64, tpu.core_type = #tpu.core_type<sc_vector_subcore>, window_params = [{transform_indices = #map}, {transform_indices = #map1}, {transform_indices = #map1}, {transform_indices = #map1}]} {
    %mul3A = arith.constant 16 : i32
    %mul3A_0 = arith.muli %arg0, %mul3A : i32
    %add3A = arith.addi %mul3A_0, %arg1 : i32
    %mul3A_1 = arith.constant 80 : i32
    %mul3A_2 = arith.muli %add3A, %mul3A_1 : i32
    "tpu.region"() ({
      %run_scoped3A = tpu.sem_alloc : memref<!tpu.dma_semaphore, #tpu.memory_space<semaphore_mem>>
      %dma_start3A = arith.constant 0 : i32
      %dma_start3A_17 = tpu.memref_slice %arg2[%mul3A_2, %dma_start3A] : memref<2560x128xi32, #tpu.memory_space<hbm>> -> memref<80x128xi32, #tpu.memory_space<hbm>>
      %dma_start3A_18 = arith.constant 0 : i32
      %dma_start3A_19 = tpu.memref_slice %arg2[%mul3A_2, %dma_start3A_18] : memref<2560x128xi32, #tpu.memory_space<hbm>> -> memref<80x128xi32, #tpu.memory_space<hbm>>
      tpu.enqueue_dma source(%dma_start3A_19 : memref<80x128xi32, #tpu.memory_space<hbm>>) target(%arg6 : memref<80x128xi32, #tpu.memory_space<vmem>>) target_semaphore(%run_scoped3A : memref<!tpu.dma_semaphore, #tpu.memory_space<semaphore_mem>>)
      %dma_wait3A = arith.constant 0 : i32
      %dma_wait3A_20 = tpu.memref_slice %arg2[%mul3A_2, %dma_wait3A] : memref<2560x128xi32, #tpu.memory_space<hbm>> -> memref<80x128xi32, #tpu.memory_space<hbm>>
      %dma_wait3A_21 = arith.constant 0 : i32
      %dma_wait3A_22 = tpu.memref_slice %arg2[%mul3A_2, %dma_wait3A_21] : memref<2560x128xi32, #tpu.memory_space<hbm>> -> memref<80x128xi32, #tpu.memory_space<hbm>>
      tpu.wait_dma2 semaphore(%run_scoped3A : memref<!tpu.dma_semaphore, #tpu.memory_space<semaphore_mem>>) src(%dma_wait3A_22 : memref<80x128xi32, #tpu.memory_space<hbm>>) dst(%arg6 : memref<80x128xi32, #tpu.memory_space<vmem>>)
      tpu.yield
    }) : () -> ()
    "tpu.region"() ({
      %run_scoped3A = tpu.sem_alloc : memref<!tpu.dma_semaphore, #tpu.memory_space<semaphore_mem>>
      tpu.enqueue_dma source(%arg3 : memref<128xf32, #tpu.memory_space<hbm>>) target(%arg7 : memref<128xf32, #tpu.memory_space<vmem>>) target_semaphore(%run_scoped3A : memref<!tpu.dma_semaphore, #tpu.memory_space<semaphore_mem>>)
      tpu.wait_dma2 semaphore(%run_scoped3A : memref<!tpu.dma_semaphore, #tpu.memory_space<semaphore_mem>>) src(%arg3 : memref<128xf32, #tpu.memory_space<hbm>>) dst(%arg7 : memref<128xf32, #tpu.memory_space<vmem>>)
      tpu.yield
    }) : () -> ()
    %mul3A_3 = arith.constant 640 : i32
    %mul3A_4 = arith.muli %arg1, %mul3A_3 : i32
    "tpu.region"() ({
      %run_scoped3A = tpu.sem_alloc : memref<!tpu.dma_semaphore, #tpu.memory_space<semaphore_mem>>
      %dma_start3A = tpu.memref_slice %arg8[%mul3A_4] : memref<10240xf32, #tpu.memory_space<vmem_shared>> -> memref<640xf32, #tpu.memory_space<vmem_shared>>
      tpu.enqueue_dma source(%arg4 : memref<640xf32, #tpu.memory_space<hbm>>) target(%dma_start3A : memref<640xf32, #tpu.memory_space<vmem_shared>>) target_semaphore(%run_scoped3A : memref<!tpu.dma_semaphore, #tpu.memory_space<semaphore_mem>>)
      %dma_wait3A = tpu.memref_slice %arg8[%mul3A_4] : memref<10240xf32, #tpu.memory_space<vmem_shared>> -> memref<640xf32, #tpu.memory_space<vmem_shared>>
      tpu.wait_dma2 semaphore(%run_scoped3A : memref<!tpu.dma_semaphore, #tpu.memory_space<semaphore_mem>>) src(%arg4 : memref<640xf32, #tpu.memory_space<hbm>>) dst(%dma_wait3A : memref<640xf32, #tpu.memory_space<vmem_shared>>)
      tpu.yield
    }) : () -> ()
    %barrier3A = arith.constant 0 : index
    tpu.barrier barrier_id(%barrier3A)
    %scan3A = arith.constant 0 : i32
    %scan3A_5 = arith.constant 80 : i32
    %scan3A_6 = arith.addi %scan3A, %scan3A_5 : i32
    %scan3A_7 = arith.constant 1 : i32
    scf.for %scan3A_17 = %scan3A to %scan3A_6 step %scan3A_7  : i32 {
      %mul3A_18 = arith.constant 1 : i32
      %mul3A_19 = arith.muli %scan3A_17, %mul3A_18 : i32
      %add3A_20 = arith.constant 0 : i32
      %add3A_21 = arith.addi %add3A_20, %mul3A_19 : i32
      "tpu.region"() ({
        %run_scoped3A = tpu.sem_alloc : memref<!tpu.dma_semaphore, #tpu.memory_space<semaphore_mem>>
        %dma_start3A = arith.constant 0 : i32
        %dma_start3A_22 = tpu.memref_slice %arg6[%add3A_21, %dma_start3A] : memref<80x128xi32, #tpu.memory_space<vmem>> -> memref<1x128xi32, #tpu.memory_space<vmem>>
        %dma_start3A_23 = tpu.memref_squeeze %dma_start3A_22 : memref<1x128xi32, #tpu.memory_space<vmem>> -> memref<128xi32, #tpu.memory_space<vmem>>
        %dma_start3A_24 = arith.constant 0 : i32
        %dma_start3A_25 = tpu.memref_slice %arg8[%dma_start3A_24] : memref<10240xf32, #tpu.memory_space<vmem_shared>> -> memref<10240xf32, #tpu.memory_space<vmem_shared>>
        tpu.enqueue_indirect_dma source(%arg7 : memref<128xf32, #tpu.memory_space<vmem>>) target(%dma_start3A_25 : memref<10240xf32, #tpu.memory_space<vmem_shared>>) offsets(%dma_start3A_23 : memref<128xi32, #tpu.memory_space<vmem>>) semaphore(%run_scoped3A : memref<!tpu.dma_semaphore, #tpu.memory_space<semaphore_mem>>) {add = true}
        %dma_wait3A = arith.constant 0 : i32
        %dma_wait3A_26 = tpu.memref_slice %arg6[%add3A_21, %dma_wait3A] : memref<80x128xi32, #tpu.memory_space<vmem>> -> memref<1x128xi32, #tpu.memory_space<vmem>>
        %dma_wait3A_27 = tpu.memref_squeeze %dma_wait3A_26 : memref<1x128xi32, #tpu.memory_space<vmem>> -> memref<128xi32, #tpu.memory_space<vmem>>
        %dma_wait3A_28 = arith.constant 0 : i32
        %dma_wait3A_29 = tpu.memref_slice %arg8[%dma_wait3A_28] : memref<10240xf32, #tpu.memory_space<vmem_shared>> -> memref<10240xf32, #tpu.memory_space<vmem_shared>>
        tpu.wait_indirect_dma semaphore(%run_scoped3A : memref<!tpu.dma_semaphore, #tpu.memory_space<semaphore_mem>>) src(%arg7 : memref<128xf32, #tpu.memory_space<vmem>>) dst(%dma_wait3A_29 : memref<10240xf32, #tpu.memory_space<vmem_shared>>)
        tpu.yield
      }) : () -> ()
    }
    %scan3A_8 = arith.constant 80 : i32
    %barrier3A_9 = arith.constant 0 : index
    tpu.barrier barrier_id(%barrier3A_9)
    %mul3A_10 = arith.constant 640 : i32
    %mul3A_11 = arith.muli %arg1, %mul3A_10 : i32
    %mul3A_12 = arith.constant 10240 : i32
    %mul3A_13 = arith.muli %arg0, %mul3A_12 : i32
    %mul3A_14 = arith.constant 640 : i32
    %mul3A_15 = arith.muli %arg1, %mul3A_14 : i32
    %add3A_16 = arith.addi %mul3A_13, %mul3A_15 : i32
    "tpu.region"() ({
      %run_scoped3A = tpu.sem_alloc : memref<!tpu.dma_semaphore, #tpu.memory_space<semaphore_mem>>
      %dma_start3A = tpu.memref_slice %arg5[%add3A_16] : memref<20480xf32, #tpu.memory_space<hbm>> -> memref<640xf32, #tpu.memory_space<hbm>>
      %dma_start3A_17 = tpu.memref_slice %arg8[%mul3A_11] : memref<10240xf32, #tpu.memory_space<vmem_shared>> -> memref<640xf32, #tpu.memory_space<vmem_shared>>
      tpu.enqueue_dma source(%dma_start3A_17 : memref<640xf32, #tpu.memory_space<vmem_shared>>) target(%dma_start3A : memref<640xf32, #tpu.memory_space<hbm>>) target_semaphore(%run_scoped3A : memref<!tpu.dma_semaphore, #tpu.memory_space<semaphore_mem>>)
      %dma_wait3A = tpu.memref_slice %arg5[%add3A_16] : memref<20480xf32, #tpu.memory_space<hbm>> -> memref<640xf32, #tpu.memory_space<hbm>>
      %dma_wait3A_18 = tpu.memref_slice %arg8[%mul3A_11] : memref<10240xf32, #tpu.memory_space<vmem_shared>> -> memref<640xf32, #tpu.memory_space<vmem_shared>>
      tpu.wait_dma2 semaphore(%run_scoped3A : memref<!tpu.dma_semaphore, #tpu.memory_space<semaphore_mem>>) src(%dma_wait3A_18 : memref<640xf32, #tpu.memory_space<vmem_shared>>) dst(%dma_wait3A : memref<640xf32, #tpu.memory_space<hbm>>)
      tpu.yield
    }) : () -> ()
    return
  }
}

module attributes {stable_mosaic.version = 14 : i64} {
  func.func @_mm_body(%arg0: i32, %arg1: memref<1024x128xf32, #tpu.memory_space<vmem>>, %arg2: memref<128x128xf32, #tpu.memory_space<vmem>>, %arg3: memref<1x128xf32, #tpu.memory_space<vmem>>, %arg4: memref<1x1024x1xf32, #tpu.memory_space<vmem>>, %arg5: memref<1x1024x1xf32, #tpu.memory_space<vmem>>, %arg6: memref<1024x128xf32, #tpu.memory_space<vmem>>, %arg7: memref<1024x128xf32, #tpu.memory_space<vmem>>, %arg8: memref<1024x1xf32, #tpu.memory_space<vmem>>) attributes {dimension_semantics = [#tpu.dimension_semantics<arbitrary>], iteration_bounds = array<i64: 10>, scalar_prefetch = 0 : i64, scratch_operands = 0 : i64, tpu.core_type = #tpu.core_type<tc>, window_params = [{transform_indices = @transform_0, window_bounds = array<i64: 1024, 128>}, {pipeline_mode = #tpu.pipeline_mode<synchronous>, transform_indices = @transform_1, window_bounds = array<i64: 128, 128>}, {pipeline_mode = #tpu.pipeline_mode<synchronous>, transform_indices = @transform_2, window_bounds = array<i64: 1, 128>}, {transform_indices = @transform_3, window_bounds = array<i64: 1, 1024, 1>}, {transform_indices = @transform_4, window_bounds = array<i64: 1, 1024, 1>}, {transform_indices = @transform_5, window_bounds = array<i64: 1024, 128>}, {transform_indices = @transform_6, window_bounds = array<i64: 1024, 128>}, {transform_indices = @transform_7, window_bounds = array<i64: 1024, 1>}]} {
    %get3A = arith.constant 0 : index
    %get3A_0 = arith.constant 0 : index
    %get3A_1 = vector.load %arg1[%get3A, %get3A_0] : memref<1024x128xf32, #tpu.memory_space<vmem>>, vector<1024x128xf32>
    %get3A_2 = arith.constant 0 : index
    %get3A_3 = arith.constant 0 : index
    %get3A_4 = vector.load %arg2[%get3A_2, %get3A_3] : memref<128x128xf32, #tpu.memory_space<vmem>>, vector<128x128xf32>
    %dot_general3A = arith.constant dense<0.000000e+00> : vector<1024x128xf32>
    %dot_general3A_5 = tpu.matmul %get3A_1, %get3A_4, %dot_general3A {dimension_numbers = #tpu.dot_dimension_numbers<[1], [1], [0], [0], [0, 0, 1, 0], [], []>, transpose_lhs_hint = false} : vector<1024x128xf32>, vector<128x128xf32>, vector<1024x128xf32> -> vector<1024x128xf32>
    %get3A_6 = arith.constant 0 : index
    %get3A_7 = arith.constant 0 : index
    %get3A_8 = vector.load %arg3[%get3A_6, %get3A_7] : memref<1x128xf32, #tpu.memory_space<vmem>>, vector<1x128xf32>
    %add3A = vector.broadcast %get3A_8 : vector<1x128xf32> to vector<1024x128xf32>
    %add3A_9 = arith.addf %dot_general3A_5, %add3A : vector<1024x128xf32>
    %get3A_10 = arith.constant 0 : index
    %get3A_11 = arith.constant 0 : index
    %get3A_12 = arith.constant 0 : index
    %get3A_13 = vector.load %arg4[%get3A_10, %get3A_11, %get3A_12] : memref<1x1024x1xf32, #tpu.memory_space<vmem>>, vector<1x1024x1xf32>
    %get3A_14 = vector.shape_cast %get3A_13 : vector<1x1024x1xf32> to vector<1024x1xf32>
    %get3A_15 = arith.constant 0 : index
    %get3A_16 = arith.constant 0 : index
    %get3A_17 = arith.constant 0 : index
    %get3A_18 = vector.load %arg5[%get3A_15, %get3A_16, %get3A_17] : memref<1x1024x1xf32, #tpu.memory_space<vmem>>, vector<1x1024x1xf32>
    %get3A_19 = vector.shape_cast %get3A_18 : vector<1x1024x1xf32> to vector<1024x1xf32>
    %add3A_20 = arith.addf %get3A_14, %get3A_19 : vector<1024x1xf32>
    %add3A_21 = arith.constant 1.000000e+00 : f32
    %add3A_22 = vector.broadcast %add3A_21 : f32 to vector<1024x1xf32>
    %add3A_23 = arith.addf %add3A_20, %add3A_22 : vector<1024x1xf32>
    %rsqrt3A = math.rsqrt %add3A_23 : vector<1024x1xf32>
    %swap3A = arith.constant 0 : index
    %swap3A_24 = arith.constant 0 : index
    %swap3A_25 = vector.load %arg6[%swap3A, %swap3A_24] : memref<1024x128xf32, #tpu.memory_space<vmem>>, vector<1024x128xf32>
    tpu.vector_store %arg6[%swap3A, %swap3A_24], %add3A_9 {strides = array<i32>} : memref<1024x128xf32, #tpu.memory_space<vmem>>, vector<1024x128xf32>,
    %mul3A = vector.broadcast %rsqrt3A : vector<1024x1xf32> to vector<1024x128xf32>
    %mul3A_26 = arith.mulf %add3A_9, %mul3A : vector<1024x128xf32>
    %swap3A_27 = arith.constant 0 : index
    %swap3A_28 = arith.constant 0 : index
    %swap3A_29 = vector.load %arg7[%swap3A_27, %swap3A_28] : memref<1024x128xf32, #tpu.memory_space<vmem>>, vector<1024x128xf32>
    tpu.vector_store %arg7[%swap3A_27, %swap3A_28], %mul3A_26 {strides = array<i32>} : memref<1024x128xf32, #tpu.memory_space<vmem>>, vector<1024x128xf32>,
    %swap3A_30 = arith.constant 0 : index
    %swap3A_31 = arith.constant 0 : index
    %swap3A_32 = vector.load %arg8[%swap3A_30, %swap3A_31] : memref<1024x1xf32, #tpu.memory_space<vmem>>, vector<1024x1xf32>
    tpu.vector_store %arg8[%swap3A_30, %swap3A_31], %rsqrt3A {strides = array<i32>} : memref<1024x1xf32, #tpu.memory_space<vmem>>, vector<1024x1xf32>,
    return
  }
  func.func @transform_0(%arg0: i32) -> (i32, i32) {
    %c0_i32 = arith.constant 0 : i32
    %c0_i32_0 = arith.constant 0 : i32
    return %arg0, %c0_i32 : i32, i32
  }
  func.func @transform_1(%arg0: i32) -> (i32, i32) {
    %c0_i32 = arith.constant 0 : i32
    %c0_i32_0 = arith.constant 0 : i32
    %c0_i32_1 = arith.constant 0 : i32
    return %c0_i32, %c0_i32_0 : i32, i32
  }
  func.func @transform_2(%arg0: i32) -> (i32, i32) {
    %c0_i32 = arith.constant 0 : i32
    %c0_i32_0 = arith.constant 0 : i32
    %c0_i32_1 = arith.constant 0 : i32
    return %c0_i32, %c0_i32_0 : i32, i32
  }
  func.func @transform_3(%arg0: i32) -> (i32, i32, i32) {
    %c0_i32 = arith.constant 0 : i32
    %c0_i32_0 = arith.constant 0 : i32
    %c0_i32_1 = arith.constant 0 : i32
    return %c0_i32, %arg0, %c0_i32_0 : i32, i32, i32
  }
  func.func @transform_4(%arg0: i32) -> (i32, i32, i32) {
    %c1_i32 = arith.constant 1 : i32
    %c0_i32 = arith.constant 0 : i32
    %c0_i32_0 = arith.constant 0 : i32
    return %c1_i32, %arg0, %c0_i32 : i32, i32, i32
  }
  func.func @transform_5(%arg0: i32) -> (i32, i32) {
    %c0_i32 = arith.constant 0 : i32
    %c0_i32_0 = arith.constant 0 : i32
    return %arg0, %c0_i32 : i32, i32
  }
  func.func @transform_6(%arg0: i32) -> (i32, i32) {
    %c0_i32 = arith.constant 0 : i32
    %c0_i32_0 = arith.constant 0 : i32
    return %arg0, %c0_i32 : i32, i32
  }
  func.func @transform_7(%arg0: i32) -> (i32, i32) {
    %c0_i32 = arith.constant 0 : i32
    %c0_i32_0 = arith.constant 0 : i32
    return %arg0, %c0_i32 : i32, i32
  }
}

module attributes {stable_mosaic.version = 14 : i64} {
  func.func @_epi_body(%arg0: i32, %arg1: memref<1x1000x128xf32, #tpu.memory_space<vmem>>, %arg2: memref<1x1000x128xf32, #tpu.memory_space<vmem>>, %arg3: memref<1000x128xf32, #tpu.memory_space<vmem>>, %arg4: memref<1000x128xf32, #tpu.memory_space<vmem>>, %arg5: memref<1000x1xf32, #tpu.memory_space<vmem>>, %arg6: memref<1000x128xf32, #tpu.memory_space<vmem>>) attributes {dimension_semantics = [#tpu.dimension_semantics<arbitrary>], iteration_bounds = array<i64: 10>, scalar_prefetch = 0 : i64, scratch_operands = 0 : i64, tpu.core_type = #tpu.core_type<tc>, window_params = [{transform_indices = @transform_0, window_bounds = array<i64: 1, 1000, 128>}, {transform_indices = @transform_1, window_bounds = array<i64: 1, 1000, 128>}, {transform_indices = @transform_2, window_bounds = array<i64: 1000, 128>}, {transform_indices = @transform_3, window_bounds = array<i64: 1000, 128>}, {transform_indices = @transform_4, window_bounds = array<i64: 1000, 1>}, {transform_indices = @transform_5, window_bounds = array<i64: 1000, 128>}]} {
    %get3A = arith.constant 0 : index
    %get3A_0 = arith.constant 0 : index
    %get3A_1 = arith.constant 0 : index
    %get3A_2 = vector.load %arg1[%get3A, %get3A_0, %get3A_1] : memref<1x1000x128xf32, #tpu.memory_space<vmem>>, vector<1x1000x128xf32>
    %get3A_3 = vector.shape_cast %get3A_2 : vector<1x1000x128xf32> to vector<1000x128xf32>
    %get3A_4 = arith.constant 0 : index
    %get3A_5 = arith.constant 0 : index
    %get3A_6 = arith.constant 0 : index
    %get3A_7 = vector.load %arg2[%get3A_4, %get3A_5, %get3A_6] : memref<1x1000x128xf32, #tpu.memory_space<vmem>>, vector<1x1000x128xf32>
    %get3A_8 = vector.shape_cast %get3A_7 : vector<1x1000x128xf32> to vector<1000x128xf32>
    %add3A = arith.addf %get3A_3, %get3A_8 : vector<1000x128xf32>
    %get3A_9 = arith.constant 0 : index
    %get3A_10 = arith.constant 0 : index
    %get3A_11 = vector.load %arg3[%get3A_9, %get3A_10] : memref<1000x128xf32, #tpu.memory_space<vmem>>, vector<1000x128xf32>
    %add3A_12 = arith.addf %add3A, %get3A_11 : vector<1000x128xf32>
    %get3A_13 = arith.constant 0 : index
    %get3A_14 = arith.constant 0 : index
    %get3A_15 = vector.load %arg5[%get3A_13, %get3A_14] : memref<1000x1xf32, #tpu.memory_space<vmem>>, vector<1000x1xf32>
    %mul3A = vector.broadcast %get3A_15 : vector<1000x1xf32> to vector<1000x128xf32>
    %mul3A_16 = arith.mulf %add3A_12, %mul3A : vector<1000x128xf32>
    %mul3A_17 = arith.constant 5.000000e-01 : f32
    %mul3A_18 = vector.broadcast %mul3A_17 : f32 to vector<1000x128xf32>
    %mul3A_19 = arith.mulf %mul3A_16, %mul3A_18 : vector<1000x128xf32>
    %get3A_20 = arith.constant 0 : index
    %get3A_21 = arith.constant 0 : index
    %get3A_22 = vector.load %arg4[%get3A_20, %get3A_21] : memref<1000x128xf32, #tpu.memory_space<vmem>>, vector<1000x128xf32>
    %add3A_23 = arith.addf %mul3A_19, %get3A_22 : vector<1000x128xf32>
    %mul3A_24 = arith.constant 0.666666686 : f32
    %mul3A_25 = vector.broadcast %mul3A_24 : f32 to vector<1000x128xf32>
    %mul3A_26 = arith.mulf %add3A_23, %mul3A_25 : vector<1000x128xf32>
    %swap3A = arith.constant 0 : index
    %swap3A_27 = arith.constant 0 : index
    %swap3A_28 = vector.load %arg6[%swap3A, %swap3A_27] : memref<1000x128xf32, #tpu.memory_space<vmem>>, vector<1000x128xf32>
    tpu.vector_store %arg6[%swap3A, %swap3A_27], %mul3A_26 {strides = array<i32>} : memref<1000x128xf32, #tpu.memory_space<vmem>>, vector<1000x128xf32>,
    return
  }
  func.func @transform_0(%arg0: i32) -> (i32, i32, i32) {
    %c0_i32 = arith.constant 0 : i32
    %c0_i32_0 = arith.constant 0 : i32
    %c0_i32_1 = arith.constant 0 : i32
    return %c0_i32, %arg0, %c0_i32_0 : i32, i32, i32
  }
  func.func @transform_1(%arg0: i32) -> (i32, i32, i32) {
    %c1_i32 = arith.constant 1 : i32
    %c0_i32 = arith.constant 0 : i32
    %c0_i32_0 = arith.constant 0 : i32
    return %c1_i32, %arg0, %c0_i32 : i32, i32, i32
  }
  func.func @transform_2(%arg0: i32) -> (i32, i32) {
    %c0_i32 = arith.constant 0 : i32
    %c0_i32_0 = arith.constant 0 : i32
    return %arg0, %c0_i32 : i32, i32
  }
  func.func @transform_3(%arg0: i32) -> (i32, i32) {
    %c0_i32 = arith.constant 0 : i32
    %c0_i32_0 = arith.constant 0 : i32
    return %arg0, %c0_i32 : i32, i32
  }
  func.func @transform_4(%arg0: i32) -> (i32, i32) {
    %c0_i32 = arith.constant 0 : i32
    %c0_i32_0 = arith.constant 0 : i32
    return %arg0, %c0_i32 : i32, i32
  }
  func.func @transform_5(%arg0: i32) -> (i32, i32) {
    %c0_i32 = arith.constant 0 : i32
    %c0_i32_0 = arith.constant 0 : i32
    return %arg0, %c0_i32 : i32, i32
  }
}

</mosaic_0001>

<sc_bundles>
// kernel: kernel.6.cloned.1.call-start
scs
__scs_entry_jumppad:
0x0: {  	(pc) =	sbr.rel $0x88, $3  }
0x1: {  	(tag) =	ssettag $0x0;
	lr =	simm.s32 $0x1  }
0x2: {  	[smem:$0x3F9D] =	sst lr;
	_ =	strace $0xD0000000  }
0x3: {  	_ = 	snop  }
0x4: {  	_ = 	snop  }
0x5: {  	_ = 	snop  }
0x6: {  	_ = 	snop  }
0x7: {  	_ = 	snop  }
__scs_overlays_trampoline_lowered:
0x8: {  	[smem:$0x3FAC] =	sst s0  }
0x9: {  	[smem:$0x3FAD] =	sst s1  }
0xa: {  	[smem:$0x3FAE] =	sst s2  }
0xb: {  	[smem:$0x3FAF] =	sst s3  }
0xc: {  	[smem:$0x3FB0] =	sst s4  }
0xd: {  	[smem:$0x3FB1] =	sst s5  }
0xe: {  	[smem:$0x3FB2] =	sst s6  }
0xf: {  	[smem:$0x3FB3] =	sst s7  }
0x10: {  	[smem:$0x3FB4] =	sst s8  }
0x11: {  	[smem:$0x3FB5] =	sst s9;
	s0 =	simm.s32 @!p0 $0x0  }
0x12: {  	s1 =	sld [smem:$0x3F9B];
	s0 =	simm.s32 @p0 $0x1  }
0x13: {  	[smem:$0x3FB6] =	sst s0;
	s0 =	simm.s32 @!p1 $0x0  }
0x14: {  	s2 =	sld [smem:$0x3F9A];
	s0 =	simm.s32 @p1 $0x1  }
0x15: {  	[smem:$0x3FB7] =	sst s0;
	s0 =	simm.s32 @!p2 $0x0  }
0x16: {  	s3 =	sld [smem:$0x3FDB];
	s0 =	simm.s32 @p2 $0x1  }
0x17: {  	s4 =	simm.s32 $0x1BF5;
	[smem:$0x3FB9] =	sst s0  }
0x18: {  	s0 =	sld [smem:$0x3F9C];
	_ =	swait.ge [sflag:s4], $0x0  }
0x19: {  	s7 =	sld [smem:$0x3F9D]  }
0x1a: {  	s8 =	sadd.s32 $0xFFFFE003, lr  }
0x1b: {  	s9 =	sadd.s32 $0xFFFFFEF7, lr;
	s5 =	simm.s32 $0xFFFFFFFF;
	p2 =	slt.u32 s8, $0xFFFFF086  }
0x1c: {  	p1 =	slt.u32 s9, $0xF7A;
	s5 =	simm.s32 @!p2 $0x0  }
0x1d: {  	s5 =	simm.s32 @p1 $0x1;
	p0 =	seq.s32 s7, s2  }
0x1e: {  	s7 =	smul.u32 @!p0 $0xF7A, s2;
	p2 =	seq.s32 @!p0 s5, $0x0  }
0x1f: {  	s9 =	smul.u32 $0xF7A, s1;
	s8 =	simm.s32 @!p0 $0x1BF5;
	p2 =	por !p2, p0  }
0x20: {  	[sflag:s8] =	ssyncset.s32 @!p0 $0xFFFFF086;
	s6 =	sadd.s32 @!p0 s3, s7;
	s7 =	simm.s32 @!p0 $0x108  }
0x21: {  	s3 =	sadd.s32 s3, s9;
	s6 =	sadd.s32 @!p0 $0x88, s6;
	s7 =	simm.s32 @p2 $0x1082  }
0x22: {  	[simem:s7], [sflag:s8] =	dma.local @!p0 [hbm:s6], $0xF7A  }
0x23: {  	s9 =	sor.u32 $0xD0000000, s2;
	s6 =	simm.s32 $0x108;
	_ =	swait.ge @!p0 [sflag:s8], $0x0  }
0x24: {  	s3 =	sadd.s32 $0x88, s3;
	s6 =	simm.s32 @!p1 $0x1082;
	[sflag:s4] =	ssyncset.s32 $0xFFFFF086  }
0x25: {  	[simem:s6], [sflag:s4] =	dma.local [hbm:s3], $0xF7A  }
0x26: {  	[smem:$0x3F9D] =	sst s1;
	(tag) =	ssettag s2;
	_ =	strace s9  }
0x27: {  	s1 =	sld [smem:$0x3FAD]  }
0x28: {  	s2 =	sld [smem:$0x3FAE]  }
0x29: {  	s4 =	sld [smem:$0x3FB0]  }
0x2a: {  	p0 =	seq.s32 s5, $0x0;
	s5 =	sld [smem:$0x3FB1]  }
0x2b: {  	s6 =	sld [smem:$0x3FB2]  }
0x2c: {  	s7 =	sld [smem:$0x3FB3]  }
0x2d: {  	s3 =	simm.s32 $0x108;
	s8 =	sld [smem:$0x3FB4]  }
0x2e: {  	s3 =	simm.s32 @!p0 $0x1082;
	s9 =	sld [smem:$0x3FB5]  }
0x2f: {  	lr =	sadd.s32 s0, s3;
	s0 =	sld [smem:$0x3FAC]  }
0x30: {  	s3 =	sld [smem:$0x3FAF]  }
0x31: {  	[smem:$0x3FB8] =	sst s10  }
0x32: {  	s10 =	sld [smem:$0x3FB6];
	_ =	sdelay $0x3  }
0x33: {  	p0 =	seq.s32 s10, $0x1;
	s10 =	sld [smem:$0x3FB8];
	_ =	sdelay $0x3  }
0x34: {  	[smem:$0x3FB8] =	sst s10  }
0x35: {  	s10 =	sld [smem:$0x3FB7];
	_ =	sdelay $0x3  }
0x36: {  	p1 =	seq.s32 s10, $0x1;
	s10 =	sld [smem:$0x3FB8];
	_ =	sdelay $0x3  }
0x37: {  	[smem:$0x3FB8] =	sst s10  }
0x38: {  	s10 =	sld [smem:$0x3FB9]  }
0x39: {  	_ = 	snop;
	(pc) =	sbr.ind lr, $3  }
0x3a: {  	_ = 	snop  }
0x3b: {  	_ = 	snop  }
0x3c: {  	p2 =	seq.s32 s10, $0x1;
	s10 =	sld [smem:$0x3FB8]  }
0x3d: {  	_ =	shalt  }
0x3e: {  	_ =	shalt  }
0x3f: {  	_ =	shalt  }
0x40: {  	_ =	shalt  }
0x41: {  	_ =	shalt  }
0x42: {  	_ =	shalt  }
0x43: {  	_ =	shalt  }
0x44: {  	_ =	shalt  }
0x45: {  	_ =	shalt  }
0x46: {  	_ =	shalt  }
0x47: {  	_ =	shalt  }
0x48: {  	_ =	shalt  }
0x49: {  	_ =	shalt  }
0x4a: {  	_ =	shalt  }
0x4b: {  	_ =	shalt  }
0x4c: {  	_ =	shalt  }
0x4d: {  	_ =	shalt  }
0x4e: {  	_ =	shalt  }
0x4f: {  	_ =	shalt  }
0x50: {  	_ =	shalt  }
0x51: {  	_ =	shalt  }
0x52: {  	_ =	shalt  }
0x53: {  	_ =	shalt  }
0x54: {  	_ =	shalt  }
0x55: {  	_ =	shalt  }
0x56: {  	_ =	shalt  }
0x57: {  	_ =	shalt  }
0x58: {  	_ =	shalt  }
0x59: {  	_ =	shalt  }
0x5a: {  	_ =	shalt  }
0x5b: {  	_ =	shalt  }
0x5c: {  	_ =	shalt  }
0x5d: {  	_ =	shalt  }
0x5e: {  	_ =	shalt  }
0x5f: {  	_ =	shalt  }
0x60: {  	_ =	shalt  }
0x61: {  	_ =	shalt  }
0x62: {  	_ =	shalt  }
0x63: {  	_ =	shalt  }
0x64: {  	_ =	shalt  }
0x65: {  	_ =	shalt  }
0x66: {  	_ =	shalt  }
0x67: {  	_ =	shalt  }
0x68: {  	_ =	shalt  }
0x69: {  	_ =	shalt  }
0x6a: {  	_ =	shalt  }
0x6b: {  	_ =	shalt  }
0x6c: {  	_ =	shalt  }
0x6d: {  	_ =	shalt  }
0x6e: {  	_ =	shalt  }
0x6f: {  	_ =	shalt  }
0x70: {  	_ =	shalt  }
0x71: {  	_ =	shalt  }
0x72: {  	_ =	shalt  }
0x73: {  	_ =	shalt  }
0x74: {  	_ =	shalt  }
0x75: {  	_ =	shalt  }
0x76: {  	_ =	shalt  }
0x77: {  	_ =	shalt  }
0x78: {  	_ =	shalt  }
0x79: {  	_ =	shalt  }
0x7a: {  	_ =	shalt  }
0x7b: {  	_ =	shalt  }
0x7c: {  	_ =	shalt  }
0x7d: {  	_ =	shalt  }
0x7e: {  	_ =	shalt  }
0x7f: {  	_ =	shalt  }
0x80: {  	_ =	shalt  }
0x81: {  	_ =	shalt  }
0x82: {  	_ =	shalt  }
0x83: {  	_ =	shalt  }
0x84: {  	_ =	shalt  }
0x85: {  	_ =	shalt  }
0x86: {  	_ =	shalt  }
0x87: {  	_ =	shalt  }
.Lfunc_end0:
.L_simem_size_0:
called_computation_lowered:
.L_overlay_start_0:
0x88: {  	s2 =	sld [smem:$0x3FD9]  }
0x89: {  	s3 =	sld [smem:$0x3FFE];
	_ =	sdelay $0x1  }
0x8a: {  	s1 =	srdreg.scid  }
0x8b: {  	s0 =	sand.u32 $0x1, s1  }
0x8c: {  	s16 =	sshll.u32 s0, $0xA;
	s2 =	sadd.s32 s3, s2  }
0x8d: {  	s2 =	sadd.s32 s2, s16  }
0x8e: {  	[smem:$0x3FC4] =	sst s2  }
0x8f: {  	_ = 	snop  }
0x90: {  	(tm) =	ssettm $0x1  }
0x91: {  	s17 =	sld [smem:$0x3FFB];
	_ =	sdelay $0x3  }
0x92: {  	_ =	strace s17  }
0x93: {  	s2 =	sld [smem:$0x3FFC];
	_ =	sdelay $0x3  }
0x94: {  	_ =	strace s2  }
0x95: {  	s2 =	sld [smem:$0x3FFD];
	_ =	sdelay $0x3  }
0x96: {  	_ =	strace s2  }
0x97: {  	_ =	strace $0x8FFFFFFF  }
0x98: {  	s18 =	sld [smem:$0x3FDB];
	_ =	sdelay $0x1  }
0x99: {  	s19 =	simm.s32 $_scs_section_size  }
0x9a: {  	s4 =	simm.s32 $_size__tile_overlayer_lowered;
	s5 =	simm.s32 $_tile_overlayer_lowered  }
0x9b: {  	s22 =	simm.s32 $0x1BFF;
	s21 =	sshll.u32 s5, $0x1;
	s2 =	sadd.s32 s19, s18  }
0x9c: {  	s6 =	simm.s32 $0x0;
	s20 =	sshll.u32 s4, $0x1;
	s4 =	sadd.s32 s21, s2  }
0x9d: {  	[timem:s6], [sflag:s22] =	dma.local [hbm:s4], s20  }
0x9e: {  	_ =	swait.ge [sflag:s22], s20  }
0x9f: {  	s3 =	ssub.s32 $0x0, s20;
	[sflag:s22] =	ssyncset.done $0x0  }
0xa0: {  	[sflag:s22] =	ssyncadd.s32 s3;
	_ =	sdelay $0x1  }
0xa1: {  	s23 =	simm.s32 $0x1B8B  }
0xa2: {  	_ =	swait.ge [sflag:s23], $0x1  }
0xa3: {  	[sflag:s23] =	ssyncset.done $0x0  }
0xa4: {  	s25 =	simm.s32 $0x1B8E;
	s24 =	sld [smem:$0x3FFE];
	[sflag:s23] =	ssyncadd.s32 $0xFFFFFFFF  }
0xa5: {  	s26 =	simm.s32 $execute0_lowered;
	[smem:$0x3FD2] =	sst s25  }
0xa6: {  	s4 =	sshll.u32 s26, $0x1;
	_ =	strace $0x80000046;
	[dreg:$0x1] =	wrdreg $0xFFFFFFFF  }
0xa7: {  	s28 =	simm.s32 $_size_execute0_lowered;
	s2 =	sadd.s32 s2, s4;
	[dreg:$0x0] =	wrdreg $0x0  }
0xa8: {  	s4 =	sshll.u32 s28, $0x1;
	[dreg:$0x2] =	wrdreg s2  }
0xa9: {  	[dreg:$0x3] =	wrdreg s4  }
0xaa: {  	[dreg:$0x4] =	wrdreg $0xC0  }
0xab: {  	_ =	task [dreg:s6], $0x5FFFF  }
0xac: {  	[dreg:$0x1] =	wrdreg $0xFFFFFFFF  }
0xad: {  	[dreg:$0x0] =	wrdreg $0x60  }
0xae: {  	[dreg:$0x2] =	wrdreg s24  }
0xaf: {  	[dreg:$0x3] =	wrdreg $0x28800  }
0xb0: {  	[dreg:$0x4] =	wrdreg $0x9  }
0xb1: {  	_ =	task.clear_ibuf [dreg:s6], $0x5FFFF;
	_ =	strace $0x90000046  }
0xb2: {  	s29 =	simm.s32 $0x9;
	_ =	strace $0x80000048  }
0xb3: {  	_ =	swait.ge [sflag:s29], $0x1  }
0xb4: {  	[sflag:s29] =	ssyncadd.s32 $0xFFFFFFFF  }
0xb5: {  	_ =	strace $0x90000048  }
0xb6: {  	_ =	sfence  }
0xb7: {  	s30 =	sld [smem:$0x0];
	_ =	sdelay $0x2  }
0xb8: {  	s31 =	sshll.u32 s1, $0xD;
	s1 =	sshrl.u32 s1, $0x2  }
0xb9: {  	s3 =	sand.u32 $0x4000, s31;
	s1 =	sadd.s32 s1, s30  }
0xba: {  	s0 =	sor.u32 s3, s0;
	s1 =	sshll.u32 s1, $0x11  }
0xbb: {  	s0 =	sor.u32 s1, s0  }
0xbc: {  	s0 =	sadd.s32 $0x8F2B, s0  }
0xbd: {  	[sflag:s0] =	ssyncadd.remote.s32 $0x1  }
0xbe: {  	_ =	sfence.sel $0xFFFF  }
0xbf: {  	[dreg:$0x0] =	wrdreg $0xFFFFFFFF;
	(pc) =	sbr.abs _section_cstart, $3  }
0xc0: {  	[dreg:$0x1] =	wrdreg $0xFFFFFFFF  }
0xc1: {  	_ =	task.clear_ibuf [dreg:s6], $0x2FFFF;
	_ =	strace $0x9FFFFFFF  }
0xc2: {  	(tm) =	ssettm $0x7FFFFFFF  }
0xc3: {  	_ =	shalt  }
tec
execute0_lowered:
.L_overlay_start_1:
0x0: {  	(tag) =	ssettag $0x1  }
0x1: {  	s6 =	rddreg [dreg:$0x0]  }
0x2: {  	s0 =	srdreg.scid;
	s2 =	rddreg [dreg:$0x1];
	s3 =	simm.s32 $0x0  }
0x3: {  	s13 =	simm.s32 $0x80;
	s5 =	sand.u32 $0x1, s0;
	s0 =	stileid.u32  }
0x4: {  	s14 =	simm.s32 $0x0;
	[smem:$0x7FF] =	sst s3;
	s7 =	smul.u32 $0x280, s0  }
0x5: {  	s1 =	sshll.u32 s5, $0x4;
	s8 =	smul.u32 $0x2800, s5;
	s10 =	ssub.s32 $0x2, s5  }
0x6: {  	s5 =	sadd.s32 $0xBA00, s6;
	s11 =	sshll.u32 s0, $0x6;
	s1 =	sor.u32 s0, s1  }
0x7: {  	s31 =	sshrl.u32 s10, $0x1;
	s11 =	sor.u32 $0x1C01, s11;
	s4 =	smul.u32 $0x500, s1  }
0x8: {  	s1 =	rddreg [dreg:$0x2];
	_ =	strace $0x80000047;
	s8 =	sadd.s32 s7, s8  }
0x9: {  	s10 =	ssub.s32 s10, s31;
	s12 =	sadd.s32 s7, s2;
	s8 =	sshrl.u32 s8, $0x3  }
0xa: {  	s12 =	sshrl.u32 s12, $0x3;
	s9 =	sadd.s32 s4, s6;
	s8 =	sadd.s32 s8, s6  }
0xb: {  	s4 =	sadd.s32 $0xBC00, s6;
	s6 =	sadd.s32 $0x1A00, s9;
	s7 =	sadd.s32 $0xBE00, s8  }
0xc: {  	s8 =	smax.u32 s10, $0x1;
	s9 =	simm.s32 $0x1;
	s10 =	simm.s32 $0x2800  }
.LBB2_1:
0xd: {  	[tilespmem:s3], [sflag:$0x1] =	stream.linear.gather [hbm4b:s6+s3], $0x2800, $0x38;
	[tilespmem:$0x2B00] =	vst v63  }
0xe: {  	_ =	swait.ge [sflag:s9], $0x2800  }
0xf: {  	[sflag:s9] =	ssyncset.done $0x0  }
0x10: {  	[sflag:s9] =	ssyncadd.s32 $0xFFFFD800  }
0x11: {  	[tilespmem:s10], [sflag:$0x1] =	stream.linear.gather [hbm4b:s4+s3], $0x80, $0x38;
	[tilespmem:$0x2B00] =	vst v63  }
0x12: {  	_ =	swait.ge [sflag:s9], $0x80  }
0x13: {  	[sflag:s9] =	ssyncset.done $0x0  }
0x14: {  	[sflag:s9] =	ssyncadd.s32 $0xFFFFFF80  }
0x15: {  	[spmem:s12], [sflag:s11] =	dma.local [hbm:s5], $0x50  }
0x16: {  	_ =	swait.ge [sflag:s9], $0x50  }
0x17: {  	[sflag:s9] =	ssyncset.done $0x0  }
0x18: {  	[sflag:s9] =	ssyncadd.s32 $0xFFFFFFB0  }
0x19: {  	s15 =	simm.s32 $0x0;
	[bflag:$0x0] =	sbarrier.arrive $0xFFFF  }
0x1a: {  	[spmem:s2] =	stream.indirect.scatter.add.f32 [tilespmem:s10], [sflag:$0x1], $0x1, s15, s13, $0xb8;
	[tilespmem:$0x2B00] =	vst v63  }
0x1b: {  	_ =	swait.ge [sflag:s9], $0x80  }
0x1c: {  	s15 =	simm.s32 $0x200;
	[sflag:s9] =	ssyncset.done $0x0  }
.LBB2_2:
0x1d: {  	s16 =	sshra.s32 s15, $0x2;
	[sflag:s9] =	ssyncadd.s32 $0xFFFFFF80;
	p0 =	sne.s32 s15, $0x9E00  }
0x1e: {  	[spmem:s2] =	stream.indirect.scatter.add.f32 [tilespmem:s10], [sflag:$0x1], $0x1, s16, s13, $0xb8;
	[tilespmem:$0x2B00] =	vst v63  }
.Ltmp0:
0x1f: {  	_ = 	snop;
	(pc) =	sbr.rel @p0 .LBB2_2-.Ltmp0, $4  }
0x20: {  	_ = 	snop  }
0x21: {  	s15 =	sadd.s32 $0x200, s15  }
0x22: {  	_ =	swait.ge [sflag:s9], $0x80  }
0x23: {  	[sflag:s9] =	ssyncset.done $0x0  }
0x24: {  	s14 =	sadd.s32 $0x1, s14  }
0x25: {  	[sflag:s9] =	ssyncadd.s32 $0xFFFFFF80;
	p0 =	sne.s32 s14, s8  }
.Ltmp1:
0x26: {  	[bflag:$0x0] =	sbarrier.arrive $0xFFFF;
	(pc) =	sbr.rel @p0 .LBB2_1-.Ltmp1, $4  }
0x27: {  	[hbm:s7], [sflag:s11] =	dma.local [spmem:s12], $0x50  }
0x28: {  	_ =	swait.ge [sflag:s9], $0x50  }
0x29: {  	[sflag:s9] =	ssyncset.done $0x0  }
0x2a: {  	[sflag:s9] =	ssyncadd.s32 $0xFFFFFFB0  }
0x2b: {  	_ =	sfence.sel $0x180000  }
0x2c: {  	[bflag:$0x0] =	sbarrier.arrive $0xFFFF  }
0x2d: {  	p0 =	sne.s32 s0, $0x0;
	_ =	strace $0x90000047  }
0x2e: {  	s0 =	sadd.s32 @!p0 $0x100000, s1;
	[bflag:$0x2] =	sbarrier.arrive $0xFFFF  }
0x2f: {  	[sflag:s0] =	ssyncadd.tile.s32 @!p0 $0x1;
	_ =	shalt  }
.Lfunc_end2:
_tile_overlayer_lowered:
.L_overlay_start_2:
0x30: {  	(tag) =	ssettag $0x2  }
0x31: {  	s0 =	rddreg [dreg:$0x0];
	s2 =	stileid.u32  }
0x32: {  	s1 =	rddreg [dreg:$0x1];
	p0 =	sne.s32 s2, $0x0  }
0x33: {  	s3 =	rddreg [dreg:$0x2];
	[bflag:$0x3] =	sbarrier.arrive $0xFFFF;
	s2 =	simm.s32 @!p0 $0x1C01  }
0x34: {  	[timem:s3], [sflag:s2] =	dma.local @!p0 [hbm:s0], s1  }
0x35: {  	s0 =	simm.s32 @!p0 $0x1  }
0x36: {  	_ =	swait.ge @!p0 [sflag:s0], s1  }
0x37: {  	s1 =	ssub.s32 @!p0 $0x0, s1;
	[sflag:s0] =	ssyncset.done @!p0 $0x0  }
0x38: {  	[sflag:s0] =	ssyncadd.s32 @!p0 s1  }
0x39: {  	[bflag:$0x3] =	sbarrier.arrive $0xFFFF  }
0x3a: {  	_ =	shalt  }

// kernel: kernel.9.cloned.1.call-start
scs
__scs_entry_jumppad:
0x0: {  	(pc) =	sbr.rel $0x88, $3  }
0x1: {  	(tag) =	ssettag $0x0;
	lr =	simm.s32 $0x1  }
0x2: {  	[smem:$0x3F9D] =	sst lr;
	_ =	strace $0xD0000000  }
0x3: {  	_ = 	snop  }
0x4: {  	_ = 	snop  }
0x5: {  	_ = 	snop  }
0x6: {  	_ = 	snop  }
0x7: {  	_ = 	snop  }
__scs_overlays_trampoline_lowered:
0x8: {  	[smem:$0x3FAC] =	sst s0  }
0x9: {  	[smem:$0x3FAD] =	sst s1  }
0xa: {  	[smem:$0x3FAE] =	sst s2  }
0xb: {  	[smem:$0x3FAF] =	sst s3  }
0xc: {  	[smem:$0x3FB0] =	sst s4  }
0xd: {  	[smem:$0x3FB1] =	sst s5  }
0xe: {  	[smem:$0x3FB2] =	sst s6  }
0xf: {  	[smem:$0x3FB3] =	sst s7  }
0x10: {  	[smem:$0x3FB4] =	sst s8  }
0x11: {  	[smem:$0x3FB5] =	sst s9;
	s0 =	simm.s32 @!p0 $0x0  }
0x12: {  	s1 =	sld [smem:$0x3F9B];
	s0 =	simm.s32 @p0 $0x1  }
0x13: {  	[smem:$0x3FB6] =	sst s0;
	s0 =	simm.s32 @!p1 $0x0  }
0x14: {  	s2 =	sld [smem:$0x3F9A];
	s0 =	simm.s32 @p1 $0x1  }
0x15: {  	[smem:$0x3FB7] =	sst s0;
	s0 =	simm.s32 @!p2 $0x0  }
0x16: {  	s3 =	sld [smem:$0x3FDB];
	s0 =	simm.s32 @p2 $0x1  }
0x17: {  	s4 =	simm.s32 $0x1BF5;
	[smem:$0x3FB9] =	sst s0  }
0x18: {  	s0 =	sld [smem:$0x3F9C];
	_ =	swait.ge [sflag:s4], $0x0  }
0x19: {  	s7 =	sld [smem:$0x3F9D]  }
0x1a: {  	s8 =	sadd.s32 $0xFFFFE003, lr  }
0x1b: {  	s9 =	sadd.s32 $0xFFFFFEF7, lr;
	s5 =	simm.s32 $0xFFFFFFFF;
	p2 =	slt.u32 s8, $0xFFFFF086  }
0x1c: {  	p1 =	slt.u32 s9, $0xF7A;
	s5 =	simm.s32 @!p2 $0x0  }
0x1d: {  	s5 =	simm.s32 @p1 $0x1;
	p0 =	seq.s32 s7, s2  }
0x1e: {  	s7 =	smul.u32 @!p0 $0xF7A, s2;
	p2 =	seq.s32 @!p0 s5, $0x0  }
0x1f: {  	s9 =	smul.u32 $0xF7A, s1;
	s8 =	simm.s32 @!p0 $0x1BF5;
	p2 =	por !p2, p0  }
0x20: {  	[sflag:s8] =	ssyncset.s32 @!p0 $0xFFFFF086;
	s6 =	sadd.s32 @!p0 s3, s7;
	s7 =	simm.s32 @!p0 $0x108  }
0x21: {  	s3 =	sadd.s32 s3, s9;
	s6 =	sadd.s32 @!p0 $0x88, s6;
	s7 =	simm.s32 @p2 $0x1082  }
0x22: {  	[simem:s7], [sflag:s8] =	dma.local @!p0 [hbm:s6], $0xF7A  }
0x23: {  	s9 =	sor.u32 $0xD0000000, s2;
	s6 =	simm.s32 $0x108;
	_ =	swait.ge @!p0 [sflag:s8], $0x0  }
0x24: {  	s3 =	sadd.s32 $0x88, s3;
	s6 =	simm.s32 @!p1 $0x1082;
	[sflag:s4] =	ssyncset.s32 $0xFFFFF086  }
0x25: {  	[simem:s6], [sflag:s4] =	dma.local [hbm:s3], $0xF7A  }
0x26: {  	[smem:$0x3F9D] =	sst s1;
	(tag) =	ssettag s2;
	_ =	strace s9  }
0x27: {  	s1 =	sld [smem:$0x3FAD]  }
0x28: {  	s2 =	sld [smem:$0x3FAE]  }
0x29: {  	s4 =	sld [smem:$0x3FB0]  }
0x2a: {  	p0 =	seq.s32 s5, $0x0;
	s5 =	sld [smem:$0x3FB1]  }
0x2b: {  	s6 =	sld [smem:$0x3FB2]  }
0x2c: {  	s7 =	sld [smem:$0x3FB3]  }
0x2d: {  	s3 =	simm.s32 $0x108;
	s8 =	sld [smem:$0x3FB4]  }
0x2e: {  	s3 =	simm.s32 @!p0 $0x1082;
	s9 =	sld [smem:$0x3FB5]  }
0x2f: {  	lr =	sadd.s32 s0, s3;
	s0 =	sld [smem:$0x3FAC]  }
0x30: {  	s3 =	sld [smem:$0x3FAF]  }
0x31: {  	[smem:$0x3FB8] =	sst s10  }
0x32: {  	s10 =	sld [smem:$0x3FB6];
	_ =	sdelay $0x3  }
0x33: {  	p0 =	seq.s32 s10, $0x1;
	s10 =	sld [smem:$0x3FB8];
	_ =	sdelay $0x3  }
0x34: {  	[smem:$0x3FB8] =	sst s10  }
0x35: {  	s10 =	sld [smem:$0x3FB7];
	_ =	sdelay $0x3  }
0x36: {  	p1 =	seq.s32 s10, $0x1;
	s10 =	sld [smem:$0x3FB8];
	_ =	sdelay $0x3  }
0x37: {  	[smem:$0x3FB8] =	sst s10  }
0x38: {  	s10 =	sld [smem:$0x3FB9]  }
0x39: {  	_ = 	snop;
	(pc) =	sbr.ind lr, $3  }
0x3a: {  	_ = 	snop  }
0x3b: {  	_ = 	snop  }
0x3c: {  	p2 =	seq.s32 s10, $0x1;
	s10 =	sld [smem:$0x3FB8]  }
0x3d: {  	_ =	shalt  }
0x3e: {  	_ =	shalt  }
0x3f: {  	_ =	shalt  }
0x40: {  	_ =	shalt  }
0x41: {  	_ =	shalt  }
0x42: {  	_ =	shalt  }
0x43: {  	_ =	shalt  }
0x44: {  	_ =	shalt  }
0x45: {  	_ =	shalt  }
0x46: {  	_ =	shalt  }
0x47: {  	_ =	shalt  }
0x48: {  	_ =	shalt  }
0x49: {  	_ =	shalt  }
0x4a: {  	_ =	shalt  }
0x4b: {  	_ =	shalt  }
0x4c: {  	_ =	shalt  }
0x4d: {  	_ =	shalt  }
0x4e: {  	_ =	shalt  }
0x4f: {  	_ =	shalt  }
0x50: {  	_ =	shalt  }
0x51: {  	_ =	shalt  }
0x52: {  	_ =	shalt  }
0x53: {  	_ =	shalt  }
0x54: {  	_ =	shalt  }
0x55: {  	_ =	shalt  }
0x56: {  	_ =	shalt  }
0x57: {  	_ =	shalt  }
0x58: {  	_ =	shalt  }
0x59: {  	_ =	shalt  }
0x5a: {  	_ =	shalt  }
0x5b: {  	_ =	shalt  }
0x5c: {  	_ =	shalt  }
0x5d: {  	_ =	shalt  }
0x5e: {  	_ =	shalt  }
0x5f: {  	_ =	shalt  }
0x60: {  	_ =	shalt  }
0x61: {  	_ =	shalt  }
0x62: {  	_ =	shalt  }
0x63: {  	_ =	shalt  }
0x64: {  	_ =	shalt  }
0x65: {  	_ =	shalt  }
0x66: {  	_ =	shalt  }
0x67: {  	_ =	shalt  }
0x68: {  	_ =	shalt  }
0x69: {  	_ =	shalt  }
0x6a: {  	_ =	shalt  }
0x6b: {  	_ =	shalt  }
0x6c: {  	_ =	shalt  }
0x6d: {  	_ =	shalt  }
0x6e: {  	_ =	shalt  }
0x6f: {  	_ =	shalt  }
0x70: {  	_ =	shalt  }
0x71: {  	_ =	shalt  }
0x72: {  	_ =	shalt  }
0x73: {  	_ =	shalt  }
0x74: {  	_ =	shalt  }
0x75: {  	_ =	shalt  }
0x76: {  	_ =	shalt  }
0x77: {  	_ =	shalt  }
0x78: {  	_ =	shalt  }
0x79: {  	_ =	shalt  }
0x7a: {  	_ =	shalt  }
0x7b: {  	_ =	shalt  }
0x7c: {  	_ =	shalt  }
0x7d: {  	_ =	shalt  }
0x7e: {  	_ =	shalt  }
0x7f: {  	_ =	shalt  }
0x80: {  	_ =	shalt  }
0x81: {  	_ =	shalt  }
0x82: {  	_ =	shalt  }
0x83: {  	_ =	shalt  }
0x84: {  	_ =	shalt  }
0x85: {  	_ =	shalt  }
0x86: {  	_ =	shalt  }
0x87: {  	_ =	shalt  }
.Lfunc_end0:
.L_simem_size_0:
called_computation.1_lowered:
.L_overlay_start_0:
0x88: {  	s2 =	sld [smem:$0x3FD9]  }
0x89: {  	s3 =	sld [smem:$0x3FFE];
	_ =	sdelay $0x1  }
0x8a: {  	s1 =	srdreg.scid  }
0x8b: {  	s0 =	sand.u32 $0x1, s1  }
0x8c: {  	s17 =	sshll.u32 s0, $0xA;
	s2 =	sadd.s32 s3, s2  }
0x8d: {  	s2 =	sadd.s32 s2, s17  }
0x8e: {  	[smem:$0x3FC4] =	sst s2  }
0x8f: {  	_ = 	snop  }
0x90: {  	s2 =	sld [smem:$0x3FD0];
	(tm) =	ssettm $0x1  }
0x91: {  	s18 =	sld [smem:$0x3FFB];
	_ =	sdelay $0x3  }
0x92: {  	_ =	strace s18  }
0x93: {  	s3 =	sld [smem:$0x3FFC];
	_ =	sdelay $0x3  }
0x94: {  	_ =	strace s3  }
0x95: {  	s3 =	sld [smem:$0x3FFD];
	_ =	sdelay $0x3  }
0x96: {  	_ =	strace s3  }
0x97: {  	_ =	strace $0x8FFFFFFF  }
0x98: {  	s19 =	sld [smem:$0x3FDB];
	_ =	sdelay $0x1  }
0x99: {  	s4 =	simm.s32 $_scs_section_size  }
0x9a: {  	s5 =	simm.s32 $_size__tile_overlayer_lowered;
	s6 =	simm.s32 $_tile_overlayer_lowered  }
0x9b: {  	s22 =	simm.s32 $0x1BFF;
	s21 =	sshll.u32 s6, $0x1;
	s3 =	sadd.s32 s4, s19  }
0x9c: {  	s7 =	simm.s32 $0x0;
	s20 =	sshll.u32 s5, $0x1;
	s5 =	sadd.s32 s21, s3  }
0x9d: {  	[timem:s7], [sflag:s22] =	dma.local [hbm:s5], s20  }
0x9e: {  	_ =	swait.ge [sflag:s22], s20  }
0x9f: {  	s4 =	ssub.s32 $0x0, s20;
	[sflag:s22] =	ssyncset.done $0x0  }
0xa0: {  	[sflag:s22] =	ssyncadd.s32 s4;
	_ =	sdelay $0x1  }
0xa1: {  	s23 =	simm.s32 $0x1B8B  }
0xa2: {  	_ =	swait.ge [sflag:s23], $0x1  }
0xa3: {  	[sflag:s23] =	ssyncset.done $0x0  }
0xa4: {  	s25 =	simm.s32 $0x1B8E;
	s24 =	sld [smem:$0x3FFE];
	[sflag:s23] =	ssyncadd.s32 $0xFFFFFFFF  }
0xa5: {  	s26 =	simm.s32 $execute0_lowered;
	[smem:$0x3FD2] =	sst s25  }
0xa6: {  	s5 =	sshll.u32 s26, $0x1;
	_ =	strace $0x80000049;
	[dreg:$0x1] =	wrdreg $0xFFFFFFFF  }
0xa7: {  	s28 =	simm.s32 $_size_execute0_lowered;
	s3 =	sadd.s32 s3, s5;
	[dreg:$0x0] =	wrdreg $0x0  }
0xa8: {  	s5 =	sshll.u32 s28, $0x1;
	[dreg:$0x2] =	wrdreg s3  }
0xa9: {  	[dreg:$0x3] =	wrdreg s5  }
0xaa: {  	[dreg:$0x4] =	wrdreg $0xC0  }
0xab: {  	_ =	task [dreg:s7], $0x5FFFF  }
0xac: {  	[dreg:$0x1] =	wrdreg $0xFFFFFFFF  }
0xad: {  	[dreg:$0x0] =	wrdreg $0x60  }
0xae: {  	[dreg:$0x2] =	wrdreg s24  }
0xaf: {  	[dreg:$0x3] =	wrdreg s2  }
0xb0: {  	[dreg:$0x4] =	wrdreg $0x90000  }
0xb1: {  	[dreg:$0x5] =	wrdreg $0x9  }
0xb2: {  	_ =	task.clear_ibuf [dreg:s7], $0x6FFFF;
	_ =	strace $0x90000049  }
0xb3: {  	s29 =	simm.s32 $0x9;
	_ =	strace $0x8000004B  }
0xb4: {  	_ =	swait.ge [sflag:s29], $0x1  }
0xb5: {  	[sflag:s29] =	ssyncadd.s32 $0xFFFFFFFF  }
0xb6: {  	_ =	strace $0x9000004B  }
0xb7: {  	_ =	sfence  }
0xb8: {  	s30 =	sld [smem:$0x0];
	_ =	sdelay $0x2  }
0xb9: {  	s31 =	sshll.u32 s1, $0xD;
	s1 =	sshrl.u32 s1, $0x2  }
0xba: {  	s3 =	sand.u32 $0x4000, s31;
	s1 =	sadd.s32 s1, s30  }
0xbb: {  	s0 =	sor.u32 s3, s0;
	s1 =	sshll.u32 s1, $0x11  }
0xbc: {  	s0 =	sor.u32 s1, s0  }
0xbd: {  	s0 =	sadd.s32 $0x8F2B, s0  }
0xbe: {  	[sflag:s0] =	ssyncadd.remote.s32 $0x1  }
0xbf: {  	_ =	sfence.sel $0xFFFF  }
0xc0: {  	[dreg:$0x0] =	wrdreg $0xFFFFFFFF;
	(pc) =	sbr.abs _section_cstart, $3  }
0xc1: {  	[dreg:$0x1] =	wrdreg $0xFFFFFFFF  }
0xc2: {  	_ =	task.clear_ibuf [dreg:s7], $0x2FFFF;
	_ =	strace $0x9FFFFFFF  }
0xc3: {  	(tm) =	ssettm $0x7FFFFFFF  }
tec
execute0_lowered:
.L_overlay_start_1:
0x0: {  	(tag) =	ssettag $0x1  }
0x1: {  	s1 =	rddreg [dreg:$0x0]  }
0x2: {  	s5 =	rddreg [dreg:$0x1]  }
0x3: {  	s0 =	srdreg.scid;
	s2 =	rddreg [dreg:$0x2];
	s3 =	simm.s32 $0x0  }
0x4: {  	s10 =	stileid.u32;
	[smem:$0x7FF] =	sst s3;
	s9 =	sadd.s32 $0x33A00, s1  }
0x5: {  	s14 =	simm.s32 $0x100;
	_ =	strace $0x8000004A;
	[dreg:$0x12] =	wrdreg s9  }
0x6: {  	s15 =	simm.s32 $0x880;
	s17 =	simm.s32 $0x180;
	[dreg:$0x6] =	wrdreg s14  }
0x7: {  	s18 =	simm.s32 $0x900;
	s19 =	simm.s32 $0x200;
	[dreg:$0x7] =	wrdreg s15  }
0x8: {  	s20 =	simm.s32 $0x980;
	s21 =	simm.s32 $0x280;
	[dreg:$0x8] =	wrdreg s17  }
0x9: {  	s22 =	simm.s32 $0xA00;
	s23 =	simm.s32 $0x300;
	[dreg:$0x9] =	wrdreg s18  }
0xa: {  	s24 =	simm.s32 $0xA80;
	s25 =	simm.s32 $0x380;
	[dreg:$0xa] =	wrdreg s19  }
0xb: {  	s26 =	simm.s32 $0xB00;
	s28 =	simm.s32 $0x680;
	[dreg:$0xb] =	wrdreg s20  }
0xc: {  	s29 =	simm.s32 $0xE00;
	s30 =	simm.s32 $0x700;
	[dreg:$0xc] =	wrdreg s21  }
0xd: {  	s31 =	simm.s32 $0xE80;
	s4 =	smul.u32 $0x2800, s10;
	[dreg:$0xd] =	wrdreg s22  }
0xe: {  	s0 =	sand.u32 $0x1, s0;
	s11 =	smul.u32 $0x50000, s10;
	[dreg:$0xe] =	wrdreg s23  }
0xf: {  	s16 =	sshll.u32 s10, $0x6;
	s10 =	simm.s32 $0x3;
	[dreg:$0xf] =	wrdreg s24  }
0x10: {  	s6 =	smul.u32 $0x28000, s0;
	s0 =	ssub.s32 $0x2, s0;
	[dreg:$0x10] =	wrdreg s25  }
0x11: {  	s14 =	simm.s32 $0x5000;
	s15 =	simm.s32 $0x1;
	[dreg:$0x11] =	wrdreg s26  }
0x12: {  	s17 =	simm.s32 $0x400;
	s18 =	simm.s32 $0xB80;
	s19 =	simm.s32 $0x480  }
0x13: {  	s20 =	simm.s32 $0xC00;
	s21 =	simm.s32 $0x500;
	s22 =	simm.s32 $0xC80  }
0x14: {  	s23 =	simm.s32 $0x580;
	s24 =	simm.s32 $0xD00;
	s25 =	simm.s32 $0x600  }
0x15: {  	s26 =	simm.s32 $0xD80;
	s9 =	sshrl.u32 s0, $0x1;
	s13 =	sshrl.u32 s11, $0x2  }
0x16: {  	s11 =	simm.s32 $0x800;
	s6 =	sadd.s32 s4, s6;
	s4 =	sadd.s32 $0xBA00, s1  }
0x17: {  	s0 =	ssub.s32 s0, s9;
	s9 =	simm.s32 $0x0;
	s7 =	sshrl.u32 s6, $0x3  }
0x18: {  	s0 =	smax.u32 s0, $0x1;
	s8 =	sadd.s32 s7, s1;
	s1 =	sadd.s32 s6, s1  }
0x19: {  	s5 =	sadd.s32 s7, s5;
	s6 =	sadd.s32 s13, s2;
	[dreg:$0x15] =	wrdreg s0  }
0x1a: {  	s7 =	sor.u32 $0x1C03, s16;
	s13 =	simm.s32 $0x1000;
	[dreg:$0x4] =	wrdreg s5  }
0x1b: {  	s16 =	simm.s32 $0x2;
	s12 =	sadd.s32 $0x1A00, s8;
	[dreg:$0x13] =	wrdreg s7  }
0x1c: {  	s0 =	simm.s32 $0xF00;
	s1 =	sadd.s32 $0x36200, s1;
	[dreg:$0x5] =	wrdreg s12  }
0x1d: {  	s8 =	sshrl.u32 s6, $0x3;
	s5 =	simm.s32 $0xF80;
	[dreg:$0x14] =	wrdreg s1  }
0x1e: {  	s12 =	simm.s32 $0x80;
	s1 =	simm.s32 $0x780;
	[dreg:$0x16] =	wrdreg s8  }
.LBB2_1:
0x1f: {  	[dreg:$0x17] =	wrdreg s9  }
0x20: {  	s6 =	rddreg [dreg:$0x12]  }
0x21: {  	[spmem:s8], [sflag:s7] =	dma.local [hbm:s6], $0x2800  }
0x22: {  	_ =	swait.ge [sflag:s10], $0x2800  }
0x23: {  	[sflag:s10] =	ssyncset.done $0x0  }
0x24: {  	[sflag:s10] =	ssyncadd.s32 $0xFFFFD800  }
0x25: {  	[bflag:$0x0] =	sbarrier.arrive $0xFFFF  }
0x26: {  	s8 =	rddreg [dreg:$0x5]  }
0x27: {  	s6 =	sadd.s32 $0x0, s8  }
0x28: {  	[tilespmem:s3], [sflag:$0x3] =	stream.linear.gather [hbm4b:s6+s3], $0x800, $0x38;
	[tilespmem:$0x1D000] =	vst v63  }
0x29: {  	_ =	swait.ge [sflag:s10], $0x800  }
0x2a: {  	s9 =	rddreg [dreg:$0x4];
	[sflag:s10] =	ssyncset.done $0x0  }
0x2b: {  	[sflag:s10] =	ssyncadd.s32 $0xFFFFF800;
	s6 =	sadd.s32 $0x0, s9  }
0x2c: {  	[tilespmem:s11], [sflag:$0x3] =	stream.linear.gather [hbm4b:s6+s3], $0x800, $0x38;
	[tilespmem:$0x1D000] =	vst v63  }
0x2d: {  	_ =	swait.ge [sflag:s10], $0x800  }
0x2e: {  	[sflag:s10] =	ssyncset.done $0x0  }
0x2f: {  	[sflag:s10] =	ssyncadd.s32 $0xFFFFF800  }
0x30: {  	[tilespmem:s13], [sflag:$0x1] =	stream.indirect.gather [hbm4b:s4+s12], $0x80, s3, s12, $0xb8;
	[tilespmem:$0x1D000] =	vst v63  }
0x31: {  	_ = 	snop  }
0x32: {  	[tilespmem:s14], [sflag:$0x2] =	stream.indirect.gather [hbm4b:s4+s12], $0x80, s12, s12, $0xb8;
	[tilespmem:$0x1D000] =	vst v63  }
0x33: {  	_ =	swait.ge [sflag:s15], $0x4000  }
0x34: {  	[sflag:s15] =	ssyncset.done $0x0  }
0x35: {  	[sflag:s15] =	ssyncadd.s32 $0xFFFFC000  }
0x36: {  	[spmem:s2] =	stream.indirect.scatter.add.f32 [tilespmem:s13], [sflag:$0x3], $0x80, s11, s12, $0xb8;
	[tilespmem:$0x1D000] =	vst v63  }
0x37: {  	_ =	swait.ge [sflag:s10], $0x4000  }
0x38: {  	[sflag:s10] =	ssyncset.done $0x0  }
0x39: {  	s7 =	rddreg [dreg:$0x6];
	[sflag:s10] =	ssyncadd.s32 $0xFFFFC000  }
0x3a: {  	[tilespmem:s13], [sflag:$0x1] =	stream.indirect.gather [hbm4b:s4+s12], $0x80, s7, s12, $0xb8;
	[tilespmem:$0x1D000] =	vst v63  }
0x3b: {  	_ =	swait.ge [sflag:s16], $0x4000  }
0x3c: {  	[sflag:s16] =	ssyncset.done $0x0  }
0x3d: {  	s8 =	rddreg [dreg:$0x7];
	[sflag:s16] =	ssyncadd.s32 $0xFFFFC000  }
0x3e: {  	[spmem:s2] =	stream.indirect.scatter.add.f32 [tilespmem:s14], [sflag:$0x3], $0x80, s8, s12, $0xb8;
	[tilespmem:$0x1D000] =	vst v63  }
0x3f: {  	_ =	swait.ge [sflag:s10], $0x4000  }
0x40: {  	[sflag:s10] =	ssyncset.done $0x0  }
0x41: {  	s9 =	rddreg [dreg:$0x8];
	[sflag:s10] =	ssyncadd.s32 $0xFFFFC000  }
0x42: {  	[tilespmem:s14], [sflag:$0x2] =	stream.indirect.gather [hbm4b:s4+s12], $0x80, s9, s12, $0xb8;
	[tilespmem:$0x1D000] =	vst v63  }
0x43: {  	_ =	swait.ge [sflag:s15], $0x4000  }
0x44: {  	[sflag:s15] =	ssyncset.done $0x0  }
0x45: {  	s7 =	rddreg [dreg:$0x9];
	[sflag:s15] =	ssyncadd.s32 $0xFFFFC000  }
0x46: {  	[spmem:s2] =	stream.indirect.scatter.add.f32 [tilespmem:s13], [sflag:$0x3], $0x80, s7, s12, $0xb8;
	[tilespmem:$0x1D000] =	vst v63  }
0x47: {  	_ =	swait.ge [sflag:s10], $0x4000  }
0x48: {  	[sflag:s10] =	ssyncset.done $0x0  }
0x49: {  	s8 =	rddreg [dreg:$0xa];
	[sflag:s10] =	ssyncadd.s32 $0xFFFFC000  }
0x4a: {  	[tilespmem:s13], [sflag:$0x1] =	stream.indirect.gather [hbm4b:s4+s12], $0x80, s8, s12, $0xb8;
	[tilespmem:$0x1D000] =	vst v63  }
0x4b: {  	_ =	swait.ge [sflag:s16], $0x4000  }
0x4c: {  	[sflag:s16] =	ssyncset.done $0x0  }
0x4d: {  	s9 =	rddreg [dreg:$0xb];
	[sflag:s16] =	ssyncadd.s32 $0xFFFFC000  }
0x4e: {  	[spmem:s2] =	stream.indirect.scatter.add.f32 [tilespmem:s14], [sflag:$0x3], $0x80, s9, s12, $0xb8;
	[tilespmem:$0x1D000] =	vst v63  }
0x4f: {  	_ =	swait.ge [sflag:s10], $0x4000  }
0x50: {  	[sflag:s10] =	ssyncset.done $0x0  }
0x51: {  	s7 =	rddreg [dreg:$0xc];
	[sflag:s10] =	ssyncadd.s32 $0xFFFFC000  }
0x52: {  	[tilespmem:s14], [sflag:$0x2] =	stream.indirect.gather [hbm4b:s4+s12], $0x80, s7, s12, $0xb8;
	[tilespmem:$0x1D000] =	vst v63  }
0x53: {  	_ =	swait.ge [sflag:s15], $0x4000  }
0x54: {  	[sflag:s15] =	ssyncset.done $0x0  }
0x55: {  	s8 =	rddreg [dreg:$0xd];
	[sflag:s15] =	ssyncadd.s32 $0xFFFFC000  }
0x56: {  	[spmem:s2] =	stream.indirect.scatter.add.f32 [tilespmem:s13], [sflag:$0x3], $0x80, s8, s12, $0xb8;
	[tilespmem:$0x1D000] =	vst v63  }
0x57: {  	_ =	swait.ge [sflag:s10], $0x4000  }
0x58: {  	[sflag:s10] =	ssyncset.done $0x0  }
0x59: {  	s9 =	rddreg [dreg:$0xe];
	[sflag:s10] =	ssyncadd.s32 $0xFFFFC000  }
0x5a: {  	[tilespmem:s13], [sflag:$0x1] =	stream.indirect.gather [hbm4b:s4+s12], $0x80, s9, s12, $0xb8;
	[tilespmem:$0x1D000] =	vst v63  }
0x5b: {  	_ =	swait.ge [sflag:s16], $0x4000  }
0x5c: {  	[sflag:s16] =	ssyncset.done $0x0  }
0x5d: {  	s7 =	rddreg [dreg:$0xf];
	[sflag:s16] =	ssyncadd.s32 $0xFFFFC000  }
0x5e: {  	[spmem:s2] =	stream.indirect.scatter.add.f32 [tilespmem:s14], [sflag:$0x3], $0x80, s7, s12, $0xb8;
	[tilespmem:$0x1D000] =	vst v63  }
0x5f: {  	_ =	swait.ge [sflag:s10], $0x4000  }
0x60: {  	[sflag:s10] =	ssyncset.done $0x0  }
0x61: {  	s8 =	rddreg [dreg:$0x10];
	[sflag:s10] =	ssyncadd.s32 $0xFFFFC000  }
0x62: {  	[tilespmem:s14], [sflag:$0x2] =	stream.indirect.gather [hbm4b:s4+s12], $0x80, s8, s12, $0xb8;
	[tilespmem:$0x1D000] =	vst v63  }
0x63: {  	_ =	swait.ge [sflag:s15], $0x4000  }
0x64: {  	[sflag:s15] =	ssyncset.done $0x0  }
0x65: {  	s9 =	rddreg [dreg:$0x11];
	[sflag:s15] =	ssyncadd.s32 $0xFFFFC000  }
0x66: {  	[spmem:s2] =	stream.indirect.scatter.add.f32 [tilespmem:s13], [sflag:$0x3], $0x80, s9, s12, $0xb8;
	[tilespmem:$0x1D000] =	vst v63  }
0x67: {  	_ =	swait.ge [sflag:s10], $0x4000  }
0x68: {  	[sflag:s10] =	ssyncset.done $0x0  }
0x69: {  	[sflag:s10] =	ssyncadd.s32 $0xFFFFC000  }
0x6a: {  	[tilespmem:s13], [sflag:$0x1] =	stream.indirect.gather [hbm4b:s4+s12], $0x80, s17, s12, $0xb8;
	[tilespmem:$0x1D000] =	vst v63  }
0x6b: {  	_ =	swait.ge [sflag:s16], $0x4000  }
0x6c: {  	[sflag:s16] =	ssyncset.done $0x0  }
0x6d: {  	[sflag:s16] =	ssyncadd.s32 $0xFFFFC000  }
0x6e: {  	[spmem:s2] =	stream.indirect.scatter.add.f32 [tilespmem:s14], [sflag:$0x3], $0x80, s18, s12, $0xb8;
	[tilespmem:$0x1D000] =	vst v63  }
0x6f: {  	_ =	swait.ge [sflag:s10], $0x4000  }
0x70: {  	[sflag:s10] =	ssyncset.done $0x0  }
0x71: {  	[sflag:s10] =	ssyncadd.s32 $0xFFFFC000  }
0x72: {  	[tilespmem:s14], [sflag:$0x2] =	stream.indirect.gather [hbm4b:s4+s12], $0x80, s19, s12, $0xb8;
	[tilespmem:$0x1D000] =	vst v63  }
0x73: {  	_ =	swait.ge [sflag:s15], $0x4000  }
0x74: {  	[sflag:s15] =	ssyncset.done $0x0  }
0x75: {  	[sflag:s15] =	ssyncadd.s32 $0xFFFFC000  }
0x76: {  	[spmem:s2] =	stream.indirect.scatter.add.f32 [tilespmem:s13], [sflag:$0x3], $0x80, s20, s12, $0xb8;
	[tilespmem:$0x1D000] =	vst v63  }
0x77: {  	_ =	swait.ge [sflag:s10], $0x4000  }
0x78: {  	[sflag:s10] =	ssyncset.done $0x0  }
0x79: {  	[sflag:s10] =	ssyncadd.s32 $0xFFFFC000  }
0x7a: {  	[tilespmem:s13], [sflag:$0x1] =	stream.indirect.gather [hbm4b:s4+s12], $0x80, s21, s12, $0xb8;
	[tilespmem:$0x1D000] =	vst v63  }
0x7b: {  	_ =	swait.ge [sflag:s16], $0x4000  }
0x7c: {  	[sflag:s16] =	ssyncset.done $0x0  }
0x7d: {  	[sflag:s16] =	ssyncadd.s32 $0xFFFFC000  }
0x7e: {  	[spmem:s2] =	stream.indirect.scatter.add.f32 [tilespmem:s14], [sflag:$0x3], $0x80, s22, s12, $0xb8;
	[tilespmem:$0x1D000] =	vst v63  }
0x7f: {  	_ =	swait.ge [sflag:s10], $0x4000  }
0x80: {  	[sflag:s10] =	ssyncset.done $0x0  }
0x81: {  	[sflag:s10] =	ssyncadd.s32 $0xFFFFC000  }
0x82: {  	[tilespmem:s14], [sflag:$0x2] =	stream.indirect.gather [hbm4b:s4+s12], $0x80, s23, s12, $0xb8;
	[tilespmem:$0x1D000] =	vst v63  }
0x83: {  	_ =	swait.ge [sflag:s15], $0x4000  }
0x84: {  	[sflag:s15] =	ssyncset.done $0x0  }
0x85: {  	[sflag:s15] =	ssyncadd.s32 $0xFFFFC000  }
0x86: {  	[spmem:s2] =	stream.indirect.scatter.add.f32 [tilespmem:s13], [sflag:$0x3], $0x80, s24, s12, $0xb8;
	[tilespmem:$0x1D000] =	vst v63  }
0x87: {  	_ =	swait.ge [sflag:s10], $0x4000  }
0x88: {  	[sflag:s10] =	ssyncset.done $0x0  }
0x89: {  	[sflag:s10] =	ssyncadd.s32 $0xFFFFC000  }
0x8a: {  	[tilespmem:s13], [sflag:$0x1] =	stream.indirect.gather [hbm4b:s4+s12], $0x80, s25, s12, $0xb8;
	[tilespmem:$0x1D000] =	vst v63  }
0x8b: {  	_ =	swait.ge [sflag:s16], $0x4000  }
0x8c: {  	[sflag:s16] =	ssyncset.done $0x0  }
0x8d: {  	[sflag:s16] =	ssyncadd.s32 $0xFFFFC000  }
0x8e: {  	[spmem:s2] =	stream.indirect.scatter.add.f32 [tilespmem:s14], [sflag:$0x3], $0x80, s26, s12, $0xb8;
	[tilespmem:$0x1D000] =	vst v63  }
0x8f: {  	_ =	swait.ge [sflag:s10], $0x4000  }
0x90: {  	[sflag:s10] =	ssyncset.done $0x0  }
0x91: {  	[sflag:s10] =	ssyncadd.s32 $0xFFFFC000  }
0x92: {  	[tilespmem:s14], [sflag:$0x2] =	stream.indirect.gather [hbm4b:s4+s12], $0x80, s28, s12, $0xb8;
	[tilespmem:$0x1D000] =	vst v63  }
0x93: {  	_ =	swait.ge [sflag:s15], $0x4000  }
0x94: {  	[sflag:s15] =	ssyncset.done $0x0  }
0x95: {  	[sflag:s15] =	ssyncadd.s32 $0xFFFFC000  }
0x96: {  	[spmem:s2] =	stream.indirect.scatter.add.f32 [tilespmem:s13], [sflag:$0x3], $0x80, s29, s12, $0xb8;
	[tilespmem:$0x1D000] =	vst v63  }
0x97: {  	_ =	swait.ge [sflag:s10], $0x4000  }
0x98: {  	[sflag:s10] =	ssyncset.done $0x0  }
0x99: {  	[sflag:s10] =	ssyncadd.s32 $0xFFFFC000  }
0x9a: {  	[tilespmem:s13], [sflag:$0x1] =	stream.indirect.gather [hbm4b:s4+s12], $0x80, s30, s12, $0xb8;
	[tilespmem:$0x1D000] =	vst v63  }
0x9b: {  	_ =	swait.ge [sflag:s16], $0x4000  }
0x9c: {  	[sflag:s16] =	ssyncset.done $0x0  }
0x9d: {  	[sflag:s16] =	ssyncadd.s32 $0xFFFFC000  }
0x9e: {  	[spmem:s2] =	stream.indirect.scatter.add.f32 [tilespmem:s14], [sflag:$0x3], $0x80, s31, s12, $0xb8;
	[tilespmem:$0x1D000] =	vst v63  }
0x9f: {  	_ =	swait.ge [sflag:s10], $0x4000  }
0xa0: {  	[sflag:s10] =	ssyncset.done $0x0  }
0xa1: {  	[sflag:s10] =	ssyncadd.s32 $0xFFFFC000  }
0xa2: {  	[tilespmem:s14], [sflag:$0x2] =	stream.indirect.gather [hbm4b:s4+s12], $0x80, s1, s12, $0xb8;
	[tilespmem:$0x1D000] =	vst v63  }
0xa3: {  	_ =	swait.ge [sflag:s15], $0x4000  }
0xa4: {  	[sflag:s15] =	ssyncset.done $0x0  }
0xa5: {  	[sflag:s15] =	ssyncadd.s32 $0xFFFFC000  }
0xa6: {  	[spmem:s2] =	stream.indirect.scatter.add.f32 [tilespmem:s13], [sflag:$0x3], $0x80, s0, s12, $0xb8;
	[tilespmem:$0x1D000] =	vst v63  }
0xa7: {  	_ =	swait.ge [sflag:s10], $0x4000  }
0xa8: {  	[sflag:s10] =	ssyncset.done $0x0  }
0xa9: {  	[sflag:s10] =	ssyncadd.s32 $0xFFFFC000  }
0xaa: {  	_ =	swait.ge [sflag:s16], $0x4000  }
0xab: {  	[sflag:s16] =	ssyncset.done $0x0  }
0xac: {  	[sflag:s16] =	ssyncadd.s32 $0xFFFFC000  }
0xad: {  	[spmem:s2] =	stream.indirect.scatter.add.f32 [tilespmem:s14], [sflag:$0x3], $0x80, s5, s12, $0xb8;
	[tilespmem:$0x1D000] =	vst v63  }
0xae: {  	s6 =	simm.s32 $0x200;
	_ =	swait.ge [sflag:s10], $0x4000  }
0xaf: {  	s8 =	simm.s32 $0x100;
	s9 =	rddreg [dreg:$0x5];
	[sflag:s10] =	ssyncset.done $0x0  }
.LBB2_2:
0xb0: {  	[sflag:s10] =	ssyncadd.s32 $0xFFFFC000;
	s9 =	sadd.s32 s8, s9  }
0xb1: {  	[tilespmem:s3], [sflag:$0x3] =	stream.linear.gather [hbm4b:s9+s3], $0x800, $0x38;
	[tilespmem:$0x1D000] =	vst v63  }
0xb2: {  	_ =	swait.ge [sflag:s10], $0x800  }
0xb3: {  	s9 =	rddreg [dreg:$0x4];
	[sflag:s10] =	ssyncset.done $0x0  }
0xb4: {  	[sflag:s10] =	ssyncadd.s32 $0xFFFFF800;
	s9 =	sadd.s32 s8, s9  }
0xb5: {  	[tilespmem:s11], [sflag:$0x3] =	stream.linear.gather [hbm4b:s9+s3], $0x800, $0x38;
	[tilespmem:$0x1D000] =	vst v63  }
0xb6: {  	_ =	swait.ge [sflag:s10], $0x800  }
0xb7: {  	[sflag:s10] =	ssyncset.done $0x0  }
0xb8: {  	[sflag:s10] =	ssyncadd.s32 $0xFFFFF800  }
0xb9: {  	[tilespmem:s13], [sflag:$0x1] =	stream.indirect.gather [hbm4b:s4+s12], $0x80, s3, s12, $0xb8;
	[tilespmem:$0x1D000] =	vst v63  }
0xba: {  	_ = 	snop  }
0xbb: {  	[tilespmem:s14], [sflag:$0x2] =	stream.indirect.gather [hbm4b:s4+s12], $0x80, s12, s12, $0xb8;
	[tilespmem:$0x1D000] =	vst v63  }
0xbc: {  	_ =	swait.ge [sflag:s15], $0x4000  }
0xbd: {  	[sflag:s15] =	ssyncset.done $0x0  }
0xbe: {  	[sflag:s15] =	ssyncadd.s32 $0xFFFFC000  }
0xbf: {  	[spmem:s2] =	stream.indirect.scatter.add.f32 [tilespmem:s13], [sflag:$0x3], $0x80, s11, s12, $0xb8;
	[tilespmem:$0x1D000] =	vst v63  }
0xc0: {  	_ =	swait.ge [sflag:s10], $0x4000  }
0xc1: {  	[sflag:s10] =	ssyncset.done $0x0  }
0xc2: {  	s9 =	rddreg [dreg:$0x6];
	[sflag:s10] =	ssyncadd.s32 $0xFFFFC000  }
0xc3: {  	[tilespmem:s13], [sflag:$0x1] =	stream.indirect.gather [hbm4b:s4+s12], $0x80, s9, s12, $0xb8;
	[tilespmem:$0x1D000] =	vst v63  }
0xc4: {  	_ =	swait.ge [sflag:s16], $0x4000  }
0xc5: {  	[sflag:s16] =	ssyncset.done $0x0  }
0xc6: {  	s9 =	rddreg [dreg:$0x7];
	[sflag:s16] =	ssyncadd.s32 $0xFFFFC000  }
0xc7: {  	[spmem:s2] =	stream.indirect.scatter.add.f32 [tilespmem:s14], [sflag:$0x3], $0x80, s9, s12, $0xb8;
	[tilespmem:$0x1D000] =	vst v63  }
0xc8: {  	_ =	swait.ge [sflag:s10], $0x4000  }
0xc9: {  	[sflag:s10] =	ssyncset.done $0x0  }
0xca: {  	s9 =	rddreg [dreg:$0x8];
	[sflag:s10] =	ssyncadd.s32 $0xFFFFC000  }
0xcb: {  	[tilespmem:s14], [sflag:$0x2] =	stream.indirect.gather [hbm4b:s4+s12], $0x80, s9, s12, $0xb8;
	[tilespmem:$0x1D000] =	vst v63  }
0xcc: {  	_ =	swait.ge [sflag:s15], $0x4000  }
0xcd: {  	[sflag:s15] =	ssyncset.done $0x0  }
0xce: {  	s9 =	rddreg [dreg:$0x9];
	[sflag:s15] =	ssyncadd.s32 $0xFFFFC000  }
0xcf: {  	[spmem:s2] =	stream.indirect.scatter.add.f32 [tilespmem:s13], [sflag:$0x3], $0x80, s9, s12, $0xb8;
	[tilespmem:$0x1D000] =	vst v63  }
0xd0: {  	_ =	swait.ge [sflag:s10], $0x4000  }
0xd1: {  	[sflag:s10] =	ssyncset.done $0x0  }
0xd2: {  	s9 =	rddreg [dreg:$0xa];
	[sflag:s10] =	ssyncadd.s32 $0xFFFFC000  }
0xd3: {  	[tilespmem:s13], [sflag:$0x1] =	stream.indirect.gather [hbm4b:s4+s12], $0x80, s9, s12, $0xb8;
	[tilespmem:$0x1D000] =	vst v63  }
0xd4: {  	_ =	swait.ge [sflag:s16], $0x4000  }
0xd5: {  	[sflag:s16] =	ssyncset.done $0x0  }
0xd6: {  	s9 =	rddreg [dreg:$0xb];
	[sflag:s16] =	ssyncadd.s32 $0xFFFFC000  }
0xd7: {  	[spmem:s2] =	stream.indirect.scatter.add.f32 [tilespmem:s14], [sflag:$0x3], $0x80, s9, s12, $0xb8;
	[tilespmem:$0x1D000] =	vst v63  }
0xd8: {  	_ =	swait.ge [sflag:s10], $0x4000  }
0xd9: {  	[sflag:s10] =	ssyncset.done $0x0  }
0xda: {  	s9 =	rddreg [dreg:$0xc];
	[sflag:s10] =	ssyncadd.s32 $0xFFFFC000  }
0xdb: {  	[tilespmem:s14], [sflag:$0x2] =	stream.indirect.gather [hbm4b:s4+s12], $0x80, s9, s12, $0xb8;
	[tilespmem:$0x1D000] =	vst v63  }
0xdc: {  	_ =	swait.ge [sflag:s15], $0x4000  }
0xdd: {  	[sflag:s15] =	ssyncset.done $0x0  }
0xde: {  	s9 =	rddreg [dreg:$0xd];
	[sflag:s15] =	ssyncadd.s32 $0xFFFFC000  }
0xdf: {  	[spmem:s2] =	stream.indirect.scatter.add.f32 [tilespmem:s13], [sflag:$0x3], $0x80, s9, s12, $0xb8;
	[tilespmem:$0x1D000] =	vst v63  }
0xe0: {  	_ =	swait.ge [sflag:s10], $0x4000  }
0xe1: {  	[sflag:s10] =	ssyncset.done $0x0  }
0xe2: {  	s9 =	rddreg [dreg:$0xe];
	[sflag:s10] =	ssyncadd.s32 $0xFFFFC000  }
0xe3: {  	[tilespmem:s13], [sflag:$0x1] =	stream.indirect.gather [hbm4b:s4+s12], $0x80, s9, s12, $0xb8;
	[tilespmem:$0x1D000] =	vst v63  }
0xe4: {  	_ =	swait.ge [sflag:s16], $0x4000  }
0xe5: {  	[sflag:s16] =	ssyncset.done $0x0  }
0xe6: {  	s9 =	rddreg [dreg:$0xf];
	[sflag:s16] =	ssyncadd.s32 $0xFFFFC000  }
0xe7: {  	[spmem:s2] =	stream.indirect.scatter.add.f32 [tilespmem:s14], [sflag:$0x3], $0x80, s9, s12, $0xb8;
	[tilespmem:$0x1D000] =	vst v63  }
0xe8: {  	_ =	swait.ge [sflag:s10], $0x4000  }
0xe9: {  	[sflag:s10] =	ssyncset.done $0x0  }
0xea: {  	s9 =	rddreg [dreg:$0x10];
	[sflag:s10] =	ssyncadd.s32 $0xFFFFC000  }
0xeb: {  	[tilespmem:s14], [sflag:$0x2] =	stream.indirect.gather [hbm4b:s4+s12], $0x80, s9, s12, $0xb8;
	[tilespmem:$0x1D000] =	vst v63  }
0xec: {  	_ =	swait.ge [sflag:s15], $0x4000  }
0xed: {  	[sflag:s15] =	ssyncset.done $0x0  }
0xee: {  	s9 =	rddreg [dreg:$0x11];
	[sflag:s15] =	ssyncadd.s32 $0xFFFFC000  }
0xef: {  	[spmem:s2] =	stream.indirect.scatter.add.f32 [tilespmem:s13], [sflag:$0x3], $0x80, s9, s12, $0xb8;
	[tilespmem:$0x1D000] =	vst v63  }
0xf0: {  	_ =	swait.ge [sflag:s10], $0x4000  }
0xf1: {  	[sflag:s10] =	ssyncset.done $0x0  }
0xf2: {  	[sflag:s10] =	ssyncadd.s32 $0xFFFFC000  }
0xf3: {  	[tilespmem:s13], [sflag:$0x1] =	stream.indirect.gather [hbm4b:s4+s12], $0x80, s17, s12, $0xb8;
	[tilespmem:$0x1D000] =	vst v63  }
0xf4: {  	_ =	swait.ge [sflag:s16], $0x4000  }
0xf5: {  	[sflag:s16] =	ssyncset.done $0x0  }
0xf6: {  	[sflag:s16] =	ssyncadd.s32 $0xFFFFC000  }
0xf7: {  	[spmem:s2] =	stream.indirect.scatter.add.f32 [tilespmem:s14], [sflag:$0x3], $0x80, s18, s12, $0xb8;
	[tilespmem:$0x1D000] =	vst v63  }
0xf8: {  	_ =	swait.ge [sflag:s10], $0x4000  }
0xf9: {  	[sflag:s10] =	ssyncset.done $0x0  }
0xfa: {  	[sflag:s10] =	ssyncadd.s32 $0xFFFFC000  }
0xfb: {  	[tilespmem:s14], [sflag:$0x2] =	stream.indirect.gather [hbm4b:s4+s12], $0x80, s19, s12, $0xb8;
	[tilespmem:$0x1D000] =	vst v63  }
0xfc: {  	_ =	swait.ge [sflag:s15], $0x4000  }
0xfd: {  	[sflag:s15] =	ssyncset.done $0x0  }
0xfe: {  	[sflag:s15] =	ssyncadd.s32 $0xFFFFC000  }
0xff: {  	[spmem:s2] =	stream.indirect.scatter.add.f32 [tilespmem:s13], [sflag:$0x3], $0x80, s20, s12, $0xb8;
	[tilespmem:$0x1D000] =	vst v63  }
0x100: {  	_ =	swait.ge [sflag:s10], $0x4000  }
0x101: {  	[sflag:s10] =	ssyncset.done $0x0  }
0x102: {  	[sflag:s10] =	ssyncadd.s32 $0xFFFFC000  }
0x103: {  	[tilespmem:s13], [sflag:$0x1] =	stream.indirect.gather [hbm4b:s4+s12], $0x80, s21, s12, $0xb8;
	[tilespmem:$0x1D000] =	vst v63  }
0x104: {  	_ =	swait.ge [sflag:s16], $0x4000  }
0x105: {  	[sflag:s16] =	ssyncset.done $0x0  }
0x106: {  	[sflag:s16] =	ssyncadd.s32 $0xFFFFC000  }
0x107: {  	[spmem:s2] =	stream.indirect.scatter.add.f32 [tilespmem:s14], [sflag:$0x3], $0x80, s22, s12, $0xb8;
	[tilespmem:$0x1D000] =	vst v63  }
0x108: {  	_ =	swait.ge [sflag:s10], $0x4000  }
0x109: {  	[sflag:s10] =	ssyncset.done $0x0  }
0x10a: {  	[sflag:s10] =	ssyncadd.s32 $0xFFFFC000  }
0x10b: {  	[tilespmem:s14], [sflag:$0x2] =	stream.indirect.gather [hbm4b:s4+s12], $0x80, s23, s12, $0xb8;
	[tilespmem:$0x1D000] =	vst v63  }
0x10c: {  	_ =	swait.ge [sflag:s15], $0x4000  }
0x10d: {  	[sflag:s15] =	ssyncset.done $0x0  }
0x10e: {  	[sflag:s15] =	ssyncadd.s32 $0xFFFFC000  }
0x10f: {  	[spmem:s2] =	stream.indirect.scatter.add.f32 [tilespmem:s13], [sflag:$0x3], $0x80, s24, s12, $0xb8;
	[tilespmem:$0x1D000] =	vst v63  }
0x110: {  	_ =	swait.ge [sflag:s10], $0x4000  }
0x111: {  	[sflag:s10] =	ssyncset.done $0x0  }
0x112: {  	[sflag:s10] =	ssyncadd.s32 $0xFFFFC000  }
0x113: {  	[tilespmem:s13], [sflag:$0x1] =	stream.indirect.gather [hbm4b:s4+s12], $0x80, s25, s12, $0xb8;
	[tilespmem:$0x1D000] =	vst v63  }
0x114: {  	_ =	swait.ge [sflag:s16], $0x4000  }
0x115: {  	[sflag:s16] =	ssyncset.done $0x0  }
0x116: {  	[sflag:s16] =	ssyncadd.s32 $0xFFFFC000  }
0x117: {  	[spmem:s2] =	stream.indirect.scatter.add.f32 [tilespmem:s14], [sflag:$0x3], $0x80, s26, s12, $0xb8;
	[tilespmem:$0x1D000] =	vst v63  }
0x118: {  	_ =	swait.ge [sflag:s10], $0x4000  }
0x119: {  	[sflag:s10] =	ssyncset.done $0x0  }
0x11a: {  	[sflag:s10] =	ssyncadd.s32 $0xFFFFC000  }
0x11b: {  	[tilespmem:s14], [sflag:$0x2] =	stream.indirect.gather [hbm4b:s4+s12], $0x80, s28, s12, $0xb8;
	[tilespmem:$0x1D000] =	vst v63  }
0x11c: {  	_ =	swait.ge [sflag:s15], $0x4000  }
0x11d: {  	[sflag:s15] =	ssyncset.done $0x0  }
0x11e: {  	[sflag:s15] =	ssyncadd.s32 $0xFFFFC000  }
0x11f: {  	[spmem:s2] =	stream.indirect.scatter.add.f32 [tilespmem:s13], [sflag:$0x3], $0x80, s29, s12, $0xb8;
	[tilespmem:$0x1D000] =	vst v63  }
0x120: {  	_ =	swait.ge [sflag:s10], $0x4000  }
0x121: {  	[sflag:s10] =	ssyncset.done $0x0  }
0x122: {  	[sflag:s10] =	ssyncadd.s32 $0xFFFFC000  }
0x123: {  	[tilespmem:s13], [sflag:$0x1] =	stream.indirect.gather [hbm4b:s4+s12], $0x80, s30, s12, $0xb8;
	[tilespmem:$0x1D000] =	vst v63  }
0x124: {  	_ =	swait.ge [sflag:s16], $0x4000  }
0x125: {  	[sflag:s16] =	ssyncset.done $0x0  }
0x126: {  	[sflag:s16] =	ssyncadd.s32 $0xFFFFC000  }
0x127: {  	[spmem:s2] =	stream.indirect.scatter.add.f32 [tilespmem:s14], [sflag:$0x3], $0x80, s31, s12, $0xb8;
	[tilespmem:$0x1D000] =	vst v63  }
0x128: {  	_ =	swait.ge [sflag:s10], $0x4000  }
0x129: {  	[sflag:s10] =	ssyncset.done $0x0  }
0x12a: {  	[sflag:s10] =	ssyncadd.s32 $0xFFFFC000  }
0x12b: {  	[tilespmem:s14], [sflag:$0x2] =	stream.indirect.gather [hbm4b:s4+s12], $0x80, s1, s12, $0xb8;
	[tilespmem:$0x1D000] =	vst v63  }
0x12c: {  	_ =	swait.ge [sflag:s15], $0x4000  }
0x12d: {  	[sflag:s15] =	ssyncset.done $0x0  }
0x12e: {  	[sflag:s15] =	ssyncadd.s32 $0xFFFFC000  }
0x12f: {  	[spmem:s2] =	stream.indirect.scatter.add.f32 [tilespmem:s13], [sflag:$0x3], $0x80, s0, s12, $0xb8;
	[tilespmem:$0x1D000] =	vst v63  }
0x130: {  	_ =	swait.ge [sflag:s10], $0x4000  }
0x131: {  	[sflag:s10] =	ssyncset.done $0x0  }
0x132: {  	[sflag:s10] =	ssyncadd.s32 $0xFFFFC000  }
0x133: {  	p0 =	sne.s32 s6, $0x400;
	_ =	swait.ge [sflag:s16], $0x4000  }
.Ltmp0:
0x134: {  	[sflag:s16] =	ssyncset.done $0x0;
	(pc) =	sbr.rel @p0 .LBB2_2-.Ltmp0, $4  }
0x135: {  	[sflag:s16] =	ssyncadd.s32 $0xFFFFC000  }
0x136: {  	[spmem:s2] =	stream.indirect.scatter.add.f32 [tilespmem:s14], [sflag:$0x3], $0x80, s5, s12, $0xb8;
	[tilespmem:$0x1D000] =	vst v63  }
0x137: {  	s7 =	smov.u32 s6;
	s6 =	sadd.s32 $0x100, s6;
	_ =	swait.ge [sflag:s10], $0x4000  }
0x138: {  	s8 =	smov.u32 s7;
	s9 =	rddreg [dreg:$0x5];
	[sflag:s10] =	ssyncset.done $0x0  }
0x139: {  	[sflag:s10] =	ssyncadd.s32 $0xFFFFC000;
	s6 =	sadd.s32 s8, s9  }
0x13a: {  	[tilespmem:s3], [sflag:$0x3] =	stream.linear.gather [hbm4b:s6+s3], $0x800, $0x38;
	[tilespmem:$0x1D000] =	vst v63  }
0x13b: {  	_ =	swait.ge [sflag:s10], $0x800  }
0x13c: {  	s7 =	rddreg [dreg:$0x4];
	[sflag:s10] =	ssyncset.done $0x0  }
0x13d: {  	s6 =	sadd.s32 s8, s7;
	[sflag:s10] =	ssyncadd.s32 $0xFFFFF800  }
0x13e: {  	[tilespmem:s11], [sflag:$0x3] =	stream.linear.gather [hbm4b:s6+s3], $0x800, $0x38;
	[tilespmem:$0x1D000] =	vst v63  }
0x13f: {  	_ =	swait.ge [sflag:s10], $0x800  }
0x140: {  	[sflag:s10] =	ssyncset.done $0x0  }
0x141: {  	[sflag:s10] =	ssyncadd.s32 $0xFFFFF800  }
0x142: {  	[tilespmem:s13], [sflag:$0x1] =	stream.indirect.gather [hbm4b:s4+s12], $0x80, s3, s12, $0xb8;
	[tilespmem:$0x1D000] =	vst v63  }
0x143: {  	_ = 	snop  }
0x144: {  	[tilespmem:s14], [sflag:$0x2] =	stream.indirect.gather [hbm4b:s4+s12], $0x80, s12, s12, $0xb8;
	[tilespmem:$0x1D000] =	vst v63  }
0x145: {  	_ =	swait.ge [sflag:s15], $0x4000  }
0x146: {  	[sflag:s15] =	ssyncset.done $0x0  }
0x147: {  	[sflag:s15] =	ssyncadd.s32 $0xFFFFC000  }
0x148: {  	[spmem:s2] =	stream.indirect.scatter.add.f32 [tilespmem:s13], [sflag:$0x3], $0x80, s11, s12, $0xb8;
	[tilespmem:$0x1D000] =	vst v63  }
0x149: {  	_ =	swait.ge [sflag:s10], $0x4000  }
0x14a: {  	[sflag:s10] =	ssyncset.done $0x0  }
0x14b: {  	s9 =	rddreg [dreg:$0x6];
	[sflag:s10] =	ssyncadd.s32 $0xFFFFC000  }
0x14c: {  	[tilespmem:s13], [sflag:$0x1] =	stream.indirect.gather [hbm4b:s4+s12], $0x80, s9, s12, $0xb8;
	[tilespmem:$0x1D000] =	vst v63  }
0x14d: {  	_ =	swait.ge [sflag:s16], $0x4000  }
0x14e: {  	[sflag:s16] =	ssyncset.done $0x0  }
0x14f: {  	s7 =	rddreg [dreg:$0x7];
	[sflag:s16] =	ssyncadd.s32 $0xFFFFC000  }
0x150: {  	[spmem:s2] =	stream.indirect.scatter.add.f32 [tilespmem:s14], [sflag:$0x3], $0x80, s7, s12, $0xb8;
	[tilespmem:$0x1D000] =	vst v63  }
0x151: {  	_ =	swait.ge [sflag:s10], $0x4000  }
0x152: {  	[sflag:s10] =	ssyncset.done $0x0  }
0x153: {  	s8 =	rddreg [dreg:$0x8];
	[sflag:s10] =	ssyncadd.s32 $0xFFFFC000  }
0x154: {  	[tilespmem:s14], [sflag:$0x2] =	stream.indirect.gather [hbm4b:s4+s12], $0x80, s8, s12, $0xb8;
	[tilespmem:$0x1D000] =	vst v63  }
0x155: {  	_ =	swait.ge [sflag:s15], $0x4000  }
0x156: {  	[sflag:s15] =	ssyncset.done $0x0  }
0x157: {  	s9 =	rddreg [dreg:$0x9];
	[sflag:s15] =	ssyncadd.s32 $0xFFFFC000  }
0x158: {  	[spmem:s2] =	stream.indirect.scatter.add.f32 [tilespmem:s13], [sflag:$0x3], $0x80, s9, s12, $0xb8;
	[tilespmem:$0x1D000] =	vst v63  }
0x159: {  	_ =	swait.ge [sflag:s10], $0x4000  }
0x15a: {  	[sflag:s10] =	ssyncset.done $0x0  }
0x15b: {  	s7 =	rddreg [dreg:$0xa];
	[sflag:s10] =	ssyncadd.s32 $0xFFFFC000  }
0x15c: {  	[tilespmem:s13], [sflag:$0x1] =	stream.indirect.gather [hbm4b:s4+s12], $0x80, s7, s12, $0xb8;
	[tilespmem:$0x1D000] =	vst v63  }
0x15d: {  	_ =	swait.ge [sflag:s16], $0x4000  }
0x15e: {  	[sflag:s16] =	ssyncset.done $0x0  }
0x15f: {  	s8 =	rddreg [dreg:$0xb];
	[sflag:s16] =	ssyncadd.s32 $0xFFFFC000  }
0x160: {  	[spmem:s2] =	stream.indirect.scatter.add.f32 [tilespmem:s14], [sflag:$0x3], $0x80, s8, s12, $0xb8;
	[tilespmem:$0x1D000] =	vst v63  }
0x161: {  	_ =	swait.ge [sflag:s10], $0x4000  }
0x162: {  	[sflag:s10] =	ssyncset.done $0x0  }
0x163: {  	s9 =	rddreg [dreg:$0xc];
	[sflag:s10] =	ssyncadd.s32 $0xFFFFC000  }
0x164: {  	[tilespmem:s14], [sflag:$0x2] =	stream.indirect.gather [hbm4b:s4+s12], $0x80, s9, s12, $0xb8;
	[tilespmem:$0x1D000] =	vst v63  }
0x165: {  	_ =	swait.ge [sflag:s15], $0x4000  }
0x166: {  	[sflag:s15] =	ssyncset.done $0x0  }
0x167: {  	s7 =	rddreg [dreg:$0xd];
	[sflag:s15] =	ssyncadd.s32 $0xFFFFC000  }
0x168: {  	[spmem:s2] =	stream.indirect.scatter.add.f32 [tilespmem:s13], [sflag:$0x3], $0x80, s7, s12, $0xb8;
	[tilespmem:$0x1D000] =	vst v63  }
0x169: {  	_ =	swait.ge [sflag:s10], $0x4000  }
0x16a: {  	[sflag:s10] =	ssyncset.done $0x0  }
0x16b: {  	s8 =	rddreg [dreg:$0xe];
	[sflag:s10] =	ssyncadd.s32 $0xFFFFC000  }
0x16c: {  	[tilespmem:s13], [sflag:$0x1] =	stream.indirect.gather [hbm4b:s4+s12], $0x80, s8, s12, $0xb8;
	[tilespmem:$0x1D000] =	vst v63  }
0x16d: {  	_ =	swait.ge [sflag:s16], $0x4000  }
0x16e: {  	[sflag:s16] =	ssyncset.done $0x0  }
0x16f: {  	s9 =	rddreg [dreg:$0xf];
	[sflag:s16] =	ssyncadd.s32 $0xFFFFC000  }
0x170: {  	[spmem:s2] =	stream.indirect.scatter.add.f32 [tilespmem:s14], [sflag:$0x3], $0x80, s9, s12, $0xb8;
	[tilespmem:$0x1D000] =	vst v63  }
0x171: {  	_ =	swait.ge [sflag:s10], $0x4000  }
0x172: {  	[sflag:s10] =	ssyncset.done $0x0  }
0x173: {  	s7 =	rddreg [dreg:$0x10];
	[sflag:s10] =	ssyncadd.s32 $0xFFFFC000  }
0x174: {  	[tilespmem:s14], [sflag:$0x2] =	stream.indirect.gather [hbm4b:s4+s12], $0x80, s7, s12, $0xb8;
	[tilespmem:$0x1D000] =	vst v63  }
0x175: {  	_ =	swait.ge [sflag:s15], $0x4000  }
0x176: {  	[sflag:s15] =	ssyncset.done $0x0  }
0x177: {  	s8 =	rddreg [dreg:$0x11];
	[sflag:s15] =	ssyncadd.s32 $0xFFFFC000  }
0x178: {  	[spmem:s2] =	stream.indirect.scatter.add.f32 [tilespmem:s13], [sflag:$0x3], $0x80, s8, s12, $0xb8;
	[tilespmem:$0x1D000] =	vst v63  }
0x179: {  	_ =	swait.ge [sflag:s10], $0x4000  }
0x17a: {  	[sflag:s10] =	ssyncset.done $0x0  }
0x17b: {  	[sflag:s10] =	ssyncadd.s32 $0xFFFFC000  }
0x17c: {  	[tilespmem:s13], [sflag:$0x1] =	stream.indirect.gather [hbm4b:s4+s12], $0x80, s17, s12, $0xb8;
	[tilespmem:$0x1D000] =	vst v63  }
0x17d: {  	_ =	swait.ge [sflag:s16], $0x4000  }
0x17e: {  	[sflag:s16] =	ssyncset.done $0x0  }
0x17f: {  	[sflag:s16] =	ssyncadd.s32 $0xFFFFC000  }
0x180: {  	[spmem:s2] =	stream.indirect.scatter.add.f32 [tilespmem:s14], [sflag:$0x3], $0x80, s18, s12, $0xb8;
	[tilespmem:$0x1D000] =	vst v63  }
0x181: {  	_ =	swait.ge [sflag:s10], $0x4000  }
0x182: {  	[sflag:s10] =	ssyncset.done $0x0  }
0x183: {  	[sflag:s10] =	ssyncadd.s32 $0xFFFFC000  }
0x184: {  	[tilespmem:s14], [sflag:$0x2] =	stream.indirect.gather [hbm4b:s4+s12], $0x80, s19, s12, $0xb8;
	[tilespmem:$0x1D000] =	vst v63  }
0x185: {  	_ =	swait.ge [sflag:s15], $0x4000  }
0x186: {  	[sflag:s15] =	ssyncset.done $0x0  }
0x187: {  	[sflag:s15] =	ssyncadd.s32 $0xFFFFC000  }
0x188: {  	[spmem:s2] =	stream.indirect.scatter.add.f32 [tilespmem:s13], [sflag:$0x3], $0x80, s20, s12, $0xb8;
	[tilespmem:$0x1D000] =	vst v63  }
0x189: {  	_ =	swait.ge [sflag:s10], $0x4000  }
0x18a: {  	[sflag:s10] =	ssyncset.done $0x0  }
0x18b: {  	[sflag:s10] =	ssyncadd.s32 $0xFFFFC000  }
0x18c: {  	[tilespmem:s13], [sflag:$0x1] =	stream.indirect.gather [hbm4b:s4+s12], $0x80, s21, s12, $0xb8;
	[tilespmem:$0x1D000] =	vst v63  }
0x18d: {  	_ =	swait.ge [sflag:s16], $0x4000  }
0x18e: {  	[sflag:s16] =	ssyncset.done $0x0  }
0x18f: {  	[sflag:s16] =	ssyncadd.s32 $0xFFFFC000  }
0x190: {  	[spmem:s2] =	stream.indirect.scatter.add.f32 [tilespmem:s14], [sflag:$0x3], $0x80, s22, s12, $0xb8;
	[tilespmem:$0x1D000] =	vst v63  }
0x191: {  	_ =	swait.ge [sflag:s10], $0x4000  }
0x192: {  	[sflag:s10] =	ssyncset.done $0x0  }
0x193: {  	[sflag:s10] =	ssyncadd.s32 $0xFFFFC000  }
0x194: {  	[tilespmem:s14], [sflag:$0x2] =	stream.indirect.gather [hbm4b:s4+s12], $0x80, s23, s12, $0xb8;
	[tilespmem:$0x1D000] =	vst v63  }
0x195: {  	_ =	swait.ge [sflag:s15], $0x4000  }
0x196: {  	[sflag:s15] =	ssyncset.done $0x0  }
0x197: {  	[sflag:s15] =	ssyncadd.s32 $0xFFFFC000  }
0x198: {  	[spmem:s2] =	stream.indirect.scatter.add.f32 [tilespmem:s13], [sflag:$0x3], $0x80, s24, s12, $0xb8;
	[tilespmem:$0x1D000] =	vst v63  }
0x199: {  	_ =	swait.ge [sflag:s10], $0x4000  }
0x19a: {  	[sflag:s10] =	ssyncset.done $0x0  }
0x19b: {  	[sflag:s10] =	ssyncadd.s32 $0xFFFFC000  }
0x19c: {  	[tilespmem:s13], [sflag:$0x1] =	stream.indirect.gather [hbm4b:s4+s12], $0x80, s25, s12, $0xb8;
	[tilespmem:$0x1D000] =	vst v63  }
0x19d: {  	_ =	swait.ge [sflag:s16], $0x4000  }
0x19e: {  	[sflag:s16] =	ssyncset.done $0x0  }
0x19f: {  	[sflag:s16] =	ssyncadd.s32 $0xFFFFC000  }
0x1a0: {  	[spmem:s2] =	stream.indirect.scatter.add.f32 [tilespmem:s14], [sflag:$0x3], $0x80, s26, s12, $0xb8;
	[tilespmem:$0x1D000] =	vst v63  }
0x1a1: {  	_ =	swait.ge [sflag:s10], $0x4000  }
0x1a2: {  	[sflag:s10] =	ssyncset.done $0x0  }
0x1a3: {  	[sflag:s10] =	ssyncadd.s32 $0xFFFFC000  }
0x1a4: {  	[tilespmem:s14], [sflag:$0x2] =	stream.indirect.gather [hbm4b:s4+s12], $0x80, s28, s12, $0xb8;
	[tilespmem:$0x1D000] =	vst v63  }
0x1a5: {  	_ =	swait.ge [sflag:s15], $0x4000  }
0x1a6: {  	[sflag:s15] =	ssyncset.done $0x0  }
0x1a7: {  	[sflag:s15] =	ssyncadd.s32 $0xFFFFC000  }
0x1a8: {  	[spmem:s2] =	stream.indirect.scatter.add.f32 [tilespmem:s13], [sflag:$0x3], $0x80, s29, s12, $0xb8;
	[tilespmem:$0x1D000] =	vst v63  }
0x1a9: {  	_ =	swait.ge [sflag:s10], $0x4000  }
0x1aa: {  	[sflag:s10] =	ssyncset.done $0x0  }
0x1ab: {  	[sflag:s10] =	ssyncadd.s32 $0xFFFFC000  }
0x1ac: {  	[tilespmem:s13], [sflag:$0x1] =	stream.indirect.gather [hbm4b:s4+s12], $0x80, s30, s12, $0xb8;
	[tilespmem:$0x1D000] =	vst v63  }
0x1ad: {  	_ =	swait.ge [sflag:s16], $0x4000  }
0x1ae: {  	[sflag:s16] =	ssyncset.done $0x0  }
0x1af: {  	[sflag:s16] =	ssyncadd.s32 $0xFFFFC000  }
0x1b0: {  	[spmem:s2] =	stream.indirect.scatter.add.f32 [tilespmem:s14], [sflag:$0x3], $0x80, s31, s12, $0xb8;
	[tilespmem:$0x1D000] =	vst v63  }
0x1b1: {  	_ =	swait.ge [sflag:s10], $0x4000  }
0x1b2: {  	[sflag:s10] =	ssyncset.done $0x0  }
0x1b3: {  	[sflag:s10] =	ssyncadd.s32 $0xFFFFC000  }
0x1b4: {  	[tilespmem:s14], [sflag:$0x2] =	stream.indirect.gather [hbm4b:s4+s12], $0x80, s1, s12, $0xb8;
	[tilespmem:$0x1D000] =	vst v63  }
0x1b5: {  	_ =	swait.ge [sflag:s15], $0x4000  }
0x1b6: {  	[sflag:s15] =	ssyncset.done $0x0  }
0x1b7: {  	[sflag:s15] =	ssyncadd.s32 $0xFFFFC000  }
0x1b8: {  	[spmem:s2] =	stream.indirect.scatter.add.f32 [tilespmem:s13], [sflag:$0x3], $0x80, s0, s12, $0xb8;
	[tilespmem:$0x1D000] =	vst v63  }
0x1b9: {  	_ =	swait.ge [sflag:s10], $0x4000  }
0x1ba: {  	[sflag:s10] =	ssyncset.done $0x0  }
0x1bb: {  	[sflag:s10] =	ssyncadd.s32 $0xFFFFC000  }
0x1bc: {  	_ =	swait.ge [sflag:s16], $0x4000  }
0x1bd: {  	[sflag:s16] =	ssyncset.done $0x0  }
0x1be: {  	[sflag:s16] =	ssyncadd.s32 $0xFFFFC000  }
0x1bf: {  	[spmem:s2] =	stream.indirect.scatter.add.f32 [tilespmem:s14], [sflag:$0x3], $0x80, s5, s12, $0xb8;
	[tilespmem:$0x1D000] =	vst v63  }
0x1c0: {  	_ =	swait.ge [sflag:s10], $0x4000  }
0x1c1: {  	[sflag:s10] =	ssyncset.done $0x0  }
0x1c2: {  	[sflag:s10] =	ssyncadd.s32 $0xFFFFC000  }
0x1c3: {  	[bflag:$0x0] =	sbarrier.arrive $0xFFFF  }
0x1c4: {  	s7 =	rddreg [dreg:$0x13]  }
0x1c5: {  	s9 =	rddreg [dreg:$0x14]  }
0x1c6: {  	s8 =	rddreg [dreg:$0x16]  }
0x1c7: {  	[hbm:s9], [sflag:s7] =	dma.local [spmem:s8], $0x2800  }
0x1c8: {  	_ =	swait.ge [sflag:s10], $0x2800  }
0x1c9: {  	s6 =	rddreg [dreg:$0x17]  }
0x1ca: {  	s9 =	sadd.s32 $0x1, s6;
	s6 =	rddreg [dreg:$0x15]  }
0x1cb: {  	p0 =	sne.s32 s9, s6  }
.Ltmp1:
0x1cc: {  	_ = 	snop;
	(pc) =	sbr.rel @p0 .LBB2_1-.Ltmp1, $3  }
0x1cd: {  	_ =	sdelay $0x1  }
0x1ce: {  	[sflag:s10] =	ssyncset.done $0x0  }
0x1cf: {  	[sflag:s10] =	ssyncadd.s32 $0xFFFFD800  }
0x1d0: {  	_ =	sfence.sel $0x180000  }
0x1d1: {  	[bflag:$0x0] =	sbarrier.arrive $0xFFFF  }
0x1d2: {  	_ =	strace $0x9000004A  }
0x1d3: {  	s0 =	stileid.u32;
	[bflag:$0x2] =	sbarrier.arrive $0xFFFF  }
0x1d4: {  	p0 =	sne.s32 s0, $0x0;
	s0 =	rddreg [dreg:$0x3]  }
0x1d5: {  	s0 =	sadd.s32 @!p0 $0x100000, s0  }
0x1d6: {  	[sflag:s0] =	ssyncadd.tile.s32 @!p0 $0x1;
	_ =	shalt  }
.Lfunc_end2:
_tile_overlayer_lowered:
.L_overlay_start_2:
0x1d7: {  	(tag) =	ssettag $0x2  }
0x1d8: {  	s0 =	rddreg [dreg:$0x0];
	s2 =	stileid.u32  }
0x1d9: {  	s1 =	rddreg [dreg:$0x1];
	p0 =	sne.s32 s2, $0x0  }
0x1da: {  	s3 =	rddreg [dreg:$0x2];
	[bflag:$0x3] =	sbarrier.arrive $0xFFFF;
	s2 =	simm.s32 @!p0 $0x1C03  }
0x1db: {  	[timem:s3], [sflag:s2] =	dma.local @!p0 [hbm:s0], s1  }
0x1dc: {  	s0 =	simm.s32 @!p0 $0x3  }
0x1dd: {  	_ =	swait.ge @!p0 [sflag:s0], s1  }
0x1de: {  	s1 =	ssub.s32 @!p0 $0x0, s1;
	[sflag:s0] =	ssyncset.done @!p0 $0x0  }
0x1df: {  	[sflag:s0] =	ssyncadd.s32 @!p0 s1  }
0x1e0: {  	[bflag:$0x3] =	sbarrier.arrive $0xFFFF  }
0x1e1: {  	_ =	shalt  }

</sc_bundles>
